<compile_context>
chip_gen: v7x
topology: tpu7x:2x2x1
jax: 0.10.2.dev20260603
libtpu: 0.0.44.dev20260713+nightly
codegen_flags: <defaults>
</compile_context>

<pallas_src>
import functools
import math

import jax
import jax.numpy as jnp
from jax import lax
from jax.experimental import pallas as pl
from jax.experimental.pallas import tpu as pltpu
from jax.experimental.pallas import tpu_sc as plsc

D_EMBED = 64
SCALE = math.sqrt(D_EMBED)

NC, NS = 2, 16
NW = NC * NS
XRC = 8


def _make_kernel(R, S, RK, r0):
    assert RK % (NW * XRC) == 0
    xr_per_w = RK // NW
    n_chunks = xr_per_w // XRC
    assert n_chunks % 2 == 0
    cs = XRC * S
    b_per_w = xr_per_w * S
    n_streams = -(-cs // 128)
    base = (cs // n_streams) // 8 * 8
    splits = []
    o = 0
    for i in range(n_streams):
        n = base if i < n_streams - 1 else cs - o
        splits.append((o, n))
        o += n
    assert all(o % 8 == 0 and 0 < n <= 128 for (o, n) in splits)
    mesh = plsc.VectorSubcoreMesh(
        core_axis_name="c", subcore_axis_name="s",
        num_cores=NC, num_subcores=NS)

    @functools.partial(
        pl.kernel,
        out_type=jax.ShapeDtypeStruct((RK, S, D_EMBED), jnp.float32),
        mesh=mesh,
        scratch_types=[
            pltpu.VMEM((b_per_w,), jnp.int32),
            pltpu.VMEM((cs, D_EMBED), jnp.float32),
            pltpu.VMEM((cs, D_EMBED), jnp.float32),
            pltpu.VMEM((XRC, S, D_EMBED), jnp.float32),
            pltpu.VMEM((XRC, S, D_EMBED), jnp.float32),
            pltpu.SemaphoreType.DMA((2,)),
            pltpu.SemaphoreType.DMA((2,)),
        ],
        compiler_params=pltpu.CompilerParams(use_tc_tiling_on_sc=False),
    )
    def k(x_hbm, table_hbm, out_hbm, idx_v, gb0, gb1, ob0, ob1, gsem, ssem):
        wid = lax.axis_index("s") * NC + lax.axis_index("c")
        pltpu.sync_copy(
            x_hbm.at[pl.ds(r0 * S + wid * b_per_w, b_per_w)], idx_v)
        gbufs = (gb0, gb1)
        obufs = (ob0, ob1)

        def gather_start(g, b):
            for (o, n) in splits:
                pltpu.async_copy(
                    table_hbm.at[idx_v.at[pl.ds(g * cs + o, n)]],
                    gbufs[b].at[pl.ds(o, n)], gsem.at[b])

        def gather_wait(b):
            for (o, n) in splits:
                pltpu.make_async_copy(
                    table_hbm.at[idx_v.at[pl.ds(o, n)]],
                    gbufs[b].at[pl.ds(o, n)], gsem.at[b]).wait()

        def store_start(g, b):
            pltpu.async_copy(
                obufs[b], out_hbm.at[pl.ds(wid * xr_per_w + XRC * g, XRC)],
                ssem.at[b])

        def store_wait(b):
            pltpu.make_async_copy(
                obufs[b], out_hbm.at[pl.ds(0, XRC)], ssem.at[b]).wait()

        def scale_out(b):
            gb, ob = gbufs[b], obufs[b]

            def body_s(s, c):
                def body_r(r, c2):
                    li = r * S + s
                    for p in range(D_EMBED // 16):
                        ob[r, s, pl.ds(p * 16, 16)] = (
                            gb[li, pl.ds(p * 16, 16)] * SCALE)
                    return c2
                return lax.fori_loop(0, XRC, body_r, c)
            lax.fori_loop(0, S, body_s, 0)

        gather_start(0, 0)

        def pair(ti, c):
            for ph in range(2):
                g = 2 * ti + ph
                b, nb = ph, 1 - ph

                @pl.when(jnp.logical_and(g >= 1, g + 1 < n_chunks))
                def _():
                    store_wait(nb)

                @pl.when(g + 1 < n_chunks)
                def _():
                    gather_start(g + 1, nb)

                gather_wait(b)
                scale_out(b)
                store_start(g, b)
            return c
        lax.fori_loop(0, n_chunks // 2, pair, 0)
        store_wait(0)
        store_wait(1)

    return k


def kernel(x, table):
    R, S = x.shape
    x1d = x.reshape(R * S).astype(jnp.int32)
    return _make_kernel(R, S, R, 0)(x1d, table)

# --- scband reference (transcript-rebuilt; emitter-appended) ---
"""Pipeline reference for scband-input-embeddings-79680233275640 (READ-ONLY COPY).

The authoritative reference and input builder live on the scoring server;
editing this copy changes nothing except your own understanding.
"""

import jax, jax.numpy as jnp
import numpy as np
import math

D_EMBED = 64
VOCAB_SIZE = 100000

def setup_inputs(seed: int = 0) -> dict:
    key = jax.random.key(seed)
    k1, k2 = jax.random.split(key)
    x = jax.random.randint(k1, (4096, 50), 0, VOCAB_SIZE, dtype=jnp.int64 if jax.config.jax_enable_x64 else jnp.int32)
    table = jax.random.normal(k2, (VOCAB_SIZE, D_EMBED), dtype=jnp.float32)
    return {"x": x, "table": table}

def reference(x, table):
    # InputEmbeddings.forward: embedding(x) * sqrt(d_embed)
    out = jnp.take(table, x, axis=0) * math.sqrt(D_EMBED)
    return out

if __name__ == "__main__":
    import jax
    _d = setup_inputs()
    print(jax.jit(kernel)(*tuple(_d.values())))

</pallas_src>

<mosaic_0001>
#map = affine_map<(d0, d1) -> (0)>
#map1 = affine_map<(d0, d1) -> (0, 0)>
#map2 = affine_map<(d0, d1) -> (0, 0, 0)>
module attributes {stable_mosaic.version = 14 : i64} {
  func.func @k(%arg0: i32, %arg1: i32, %arg2: memref<204800xi32, #tpu.memory_space<hbm>>, %arg3: memref<100000x64xf32, #tpu.memory_space<hbm>>, %arg4: memref<4096x50x64xf32, #tpu.memory_space<hbm>>, %arg5: memref<6400xi32, #tpu.memory_space<vmem>>, %arg6: memref<400x64xf32, #tpu.memory_space<vmem>>, %arg7: memref<400x64xf32, #tpu.memory_space<vmem>>, %arg8: memref<8x50x64xf32, #tpu.memory_space<vmem>>, %arg9: memref<8x50x64xf32, #tpu.memory_space<vmem>>, %arg10: memref<2x!tpu.dma_semaphore, #tpu.memory_space<semaphore_mem>>, %arg11: memref<2x!tpu.dma_semaphore, #tpu.memory_space<semaphore_mem>>) attributes {dimension_semantics = [#tpu.dimension_semantics<core_parallel>, #tpu.dimension_semantics<subcore_parallel>], iteration_bounds = array<i64: 2, 16>, scalar_prefetch = 0 : i64, scratch_operands = 7 : i64, tpu.core_type = #tpu.core_type<sc_vector_subcore>, window_params = [{transform_indices = #map}, {transform_indices = #map1}, {transform_indices = #map2}]} {
    %mul3A = arith.constant 2 : i32
    %mul3A_0 = arith.muli %arg1, %mul3A : i32
    %add3A = arith.addi %mul3A_0, %arg0 : i32
    %mul3A_1 = arith.constant 6400 : i32
    %mul3A_2 = arith.muli %add3A, %mul3A_1 : i32
    %add3A_3 = arith.constant 0 : i32
    %add3A_4 = arith.addi %add3A_3, %mul3A_2 : i32
    "tpu.region"() ({
      %run_scoped3A = tpu.sem_alloc : memref<!tpu.dma_semaphore, #tpu.memory_space<semaphore_mem>>
      %dma_start3A_74 = tpu.memref_slice %arg2[%add3A_4] : memref<204800xi32, #tpu.memory_space<hbm>> -> memref<6400xi32, #tpu.memory_space<hbm>>
      %dma_start3A_75 = tpu.memref_slice %arg2[%add3A_4] : memref<204800xi32, #tpu.memory_space<hbm>> -> memref<6400xi32, #tpu.memory_space<hbm>>
      tpu.enqueue_dma source(%dma_start3A_75 : memref<6400xi32, #tpu.memory_space<hbm>>) target(%arg5 : memref<6400xi32, #tpu.memory_space<vmem>>) target_semaphore(%run_scoped3A : memref<!tpu.dma_semaphore, #tpu.memory_space<semaphore_mem>>)
      %dma_wait3A_76 = tpu.memref_slice %arg2[%add3A_4] : memref<204800xi32, #tpu.memory_space<hbm>> -> memref<6400xi32, #tpu.memory_space<hbm>>
      %dma_wait3A_77 = tpu.memref_slice %arg2[%add3A_4] : memref<204800xi32, #tpu.memory_space<hbm>> -> memref<6400xi32, #tpu.memory_space<hbm>>
      tpu.wait_dma2 semaphore(%run_scoped3A : memref<!tpu.dma_semaphore, #tpu.memory_space<semaphore_mem>>) src(%dma_wait3A_77 : memref<6400xi32, #tpu.memory_space<hbm>>) dst(%arg5 : memref<6400xi32, #tpu.memory_space<vmem>>)
      tpu.yield
    }) : () -> ()
    %dma_start3A = arith.constant 0 : i32
    %dma_start3A_5 = arith.constant 0 : i32
    %dma_start3A_6 = arith.constant 0 : i32
    %dma_start3A_7 = tpu.memref_slice %arg6[%dma_start3A_5, %dma_start3A_6] : memref<400x64xf32, #tpu.memory_space<vmem>> -> memref<96x64xf32, #tpu.memory_space<vmem>>
    %dma_start3A_8 = arith.constant 0 : i32
    %dma_start3A_9 = tpu.memref_slice %arg5[%dma_start3A_8] : memref<6400xi32, #tpu.memory_space<vmem>> -> memref<96xi32, #tpu.memory_space<vmem>>
    %dma_start3A_10 = arith.constant 0 : i32
    %dma_start3A_11 = arith.constant 0 : i32
    %dma_start3A_12 = tpu.memref_slice %arg3[%dma_start3A_10, %dma_start3A_11] : memref<100000x64xf32, #tpu.memory_space<hbm>> -> memref<100000x64xf32, #tpu.memory_space<hbm>>
    %dma_start3A_13 = tpu.memref_slice %arg10[%dma_start3A] : memref<2x!tpu.dma_semaphore, #tpu.memory_space<semaphore_mem>> -> memref<1x!tpu.dma_semaphore, #tpu.memory_space<semaphore_mem>>
    %dma_start3A_14 = tpu.memref_squeeze %dma_start3A_13 : memref<1x!tpu.dma_semaphore, #tpu.memory_space<semaphore_mem>> -> memref<!tpu.dma_semaphore, #tpu.memory_space<semaphore_mem>>
    tpu.enqueue_indirect_dma source(%dma_start3A_12 : memref<100000x64xf32, #tpu.memory_space<hbm>>) target(%dma_start3A_7 : memref<96x64xf32, #tpu.memory_space<vmem>>) offsets(%dma_start3A_9 : memref<96xi32, #tpu.memory_space<vmem>>) semaphore(%dma_start3A_14 : memref<!tpu.dma_semaphore, #tpu.memory_space<semaphore_mem>>)
    %dma_start3A_15 = arith.constant 0 : i32
    %dma_start3A_16 = arith.constant 96 : i32
    %dma_start3A_17 = arith.constant 0 : i32
    %dma_start3A_18 = tpu.memref_slice %arg6[%dma_start3A_16, %dma_start3A_17] : memref<400x64xf32, #tpu.memory_space<vmem>> -> memref<96x64xf32, #tpu.memory_space<vmem>>
    %dma_start3A_19 = arith.constant 96 : i32
    %dma_start3A_20 = tpu.memref_slice %arg5[%dma_start3A_19] : memref<6400xi32, #tpu.memory_space<vmem>> -> memref<96xi32, #tpu.memory_space<vmem>>
    %dma_start3A_21 = arith.constant 0 : i32
    %dma_start3A_22 = arith.constant 0 : i32
    %dma_start3A_23 = tpu.memref_slice %arg3[%dma_start3A_21, %dma_start3A_22] : memref<100000x64xf32, #tpu.memory_space<hbm>> -> memref<100000x64xf32, #tpu.memory_space<hbm>>
    %dma_start3A_24 = tpu.memref_slice %arg10[%dma_start3A_15] : memref<2x!tpu.dma_semaphore, #tpu.memory_space<semaphore_mem>> -> memref<1x!tpu.dma_semaphore, #tpu.memory_space<semaphore_mem>>
    %dma_start3A_25 = tpu.memref_squeeze %dma_start3A_24 : memref<1x!tpu.dma_semaphore, #tpu.memory_space<semaphore_mem>> -> memref<!tpu.dma_semaphore, #tpu.memory_space<semaphore_mem>>
    tpu.enqueue_indirect_dma source(%dma_start3A_23 : memref<100000x64xf32, #tpu.memory_space<hbm>>) target(%dma_start3A_18 : memref<96x64xf32, #tpu.memory_space<vmem>>) offsets(%dma_start3A_20 : memref<96xi32, #tpu.memory_space<vmem>>) semaphore(%dma_start3A_25 : memref<!tpu.dma_semaphore, #tpu.memory_space<semaphore_mem>>)
    %dma_start3A_26 = arith.constant 0 : i32
    %dma_start3A_27 = arith.constant 192 : i32
    %dma_start3A_28 = arith.constant 0 : i32
    %dma_start3A_29 = tpu.memref_slice %arg6[%dma_start3A_27, %dma_start3A_28] : memref<400x64xf32, #tpu.memory_space<vmem>> -> memref<96x64xf32, #tpu.memory_space<vmem>>
    %dma_start3A_30 = arith.constant 192 : i32
    %dma_start3A_31 = tpu.memref_slice %arg5[%dma_start3A_30] : memref<6400xi32, #tpu.memory_space<vmem>> -> memref<96xi32, #tpu.memory_space<vmem>>
    %dma_start3A_32 = arith.constant 0 : i32
    %dma_start3A_33 = arith.constant 0 : i32
    %dma_start3A_34 = tpu.memref_slice %arg3[%dma_start3A_32, %dma_start3A_33] : memref<100000x64xf32, #tpu.memory_space<hbm>> -> memref<100000x64xf32, #tpu.memory_space<hbm>>
    %dma_start3A_35 = tpu.memref_slice %arg10[%dma_start3A_26] : memref<2x!tpu.dma_semaphore, #tpu.memory_space<semaphore_mem>> -> memref<1x!tpu.dma_semaphore, #tpu.memory_space<semaphore_mem>>
    %dma_start3A_36 = tpu.memref_squeeze %dma_start3A_35 : memref<1x!tpu.dma_semaphore, #tpu.memory_space<semaphore_mem>> -> memref<!tpu.dma_semaphore, #tpu.memory_space<semaphore_mem>>
    tpu.enqueue_indirect_dma source(%dma_start3A_34 : memref<100000x64xf32, #tpu.memory_space<hbm>>) target(%dma_start3A_29 : memref<96x64xf32, #tpu.memory_space<vmem>>) offsets(%dma_start3A_31 : memref<96xi32, #tpu.memory_space<vmem>>) semaphore(%dma_start3A_36 : memref<!tpu.dma_semaphore, #tpu.memory_space<semaphore_mem>>)
    %dma_start3A_37 = arith.constant 0 : i32
    %dma_start3A_38 = arith.constant 288 : i32
    %dma_start3A_39 = arith.constant 0 : i32
    %dma_start3A_40 = tpu.memref_slice %arg6[%dma_start3A_38, %dma_start3A_39] : memref<400x64xf32, #tpu.memory_space<vmem>> -> memref<112x64xf32, #tpu.memory_space<vmem>>
    %dma_start3A_41 = arith.constant 288 : i32
    %dma_start3A_42 = tpu.memref_slice %arg5[%dma_start3A_41] : memref<6400xi32, #tpu.memory_space<vmem>> -> memref<112xi32, #tpu.memory_space<vmem>>
    %dma_start3A_43 = arith.constant 0 : i32
    %dma_start3A_44 = arith.constant 0 : i32
    %dma_start3A_45 = tpu.memref_slice %arg3[%dma_start3A_43, %dma_start3A_44] : memref<100000x64xf32, #tpu.memory_space<hbm>> -> memref<100000x64xf32, #tpu.memory_space<hbm>>
    %dma_start3A_46 = tpu.memref_slice %arg10[%dma_start3A_37] : memref<2x!tpu.dma_semaphore, #tpu.memory_space<semaphore_mem>> -> memref<1x!tpu.dma_semaphore, #tpu.memory_space<semaphore_mem>>
    %dma_start3A_47 = tpu.memref_squeeze %dma_start3A_46 : memref<1x!tpu.dma_semaphore, #tpu.memory_space<semaphore_mem>> -> memref<!tpu.dma_semaphore, #tpu.memory_space<semaphore_mem>>
    tpu.enqueue_indirect_dma source(%dma_start3A_45 : memref<100000x64xf32, #tpu.memory_space<hbm>>) target(%dma_start3A_40 : memref<112x64xf32, #tpu.memory_space<vmem>>) offsets(%dma_start3A_42 : memref<112xi32, #tpu.memory_space<vmem>>) semaphore(%dma_start3A_47 : memref<!tpu.dma_semaphore, #tpu.memory_space<semaphore_mem>>)
    %scan3A = arith.constant 0 : i32
    %scan3A_48 = arith.constant 0 : i32
    %scan3A_49 = arith.constant 8 : i32
    %scan3A_50 = arith.addi %scan3A_48, %scan3A_49 : i32
    %scan3A_51 = arith.constant 1 : i32
    scf.for %scan3A_74 = %scan3A_48 to %scan3A_50 step %scan3A_51  : i32 {
      %mul3A_75 = arith.constant 2 : i32
      %mul3A_76 = arith.muli %mul3A_75, %scan3A_74 : i32
      %add3A_77 = arith.constant 0 : i32
      %add3A_78 = arith.addi %mul3A_76, %add3A_77 : i32
      %ge3A = arith.constant 1 : i32
      %ge3A_79 = arith.cmpi sge, %add3A_78, %ge3A : i32
      %add3A_80 = arith.constant 1 : i32
      %add3A_81 = arith.addi %add3A_78, %add3A_80 : i32
      %lt3A = arith.constant 16 : i32
      %lt3A_82 = arith.cmpi slt, %add3A_81, %lt3A : i32
      %and3A = arith.andi %ge3A_79, %lt3A_82 : i1
      %convert_element_type3A = arith.extui %and3A : i1 to i32
      %cond3A = arith.constant 0 : i32
      %cond3A_83 = arith.cmpi ne, %convert_element_type3A, %cond3A : i32
      scf.if %cond3A_83 {
        %dma_wait3A_240 = arith.constant 1 : i32
        %dma_wait3A_241 = arith.constant 0 : i32
        %dma_wait3A_242 = arith.constant 0 : i32
        %dma_wait3A_243 = arith.constant 0 : i32
        %dma_wait3A_244 = tpu.memref_slice %arg4[%dma_wait3A_241, %dma_wait3A_242, %dma_wait3A_243] : memref<4096x50x64xf32, #tpu.memory_space<hbm>> -> memref<8x50x64xf32, #tpu.memory_space<hbm>>
        %dma_wait3A_245 = tpu.memref_slice %arg11[%dma_wait3A_240] : memref<2x!tpu.dma_semaphore, #tpu.memory_space<semaphore_mem>> -> memref<1x!tpu.dma_semaphore, #tpu.memory_space<semaphore_mem>>
        %dma_wait3A_246 = tpu.memref_squeeze %dma_wait3A_245 : memref<1x!tpu.dma_semaphore, #tpu.memory_space<semaphore_mem>> -> memref<!tpu.dma_semaphore, #tpu.memory_space<semaphore_mem>>
        %dma_wait3A_247 = arith.constant 0 : i32
        %dma_wait3A_248 = arith.constant 0 : i32
        %dma_wait3A_249 = arith.constant 0 : i32
        %dma_wait3A_250 = tpu.memref_slice %arg4[%dma_wait3A_247, %dma_wait3A_248, %dma_wait3A_249] : memref<4096x50x64xf32, #tpu.memory_space<hbm>> -> memref<8x50x64xf32, #tpu.memory_space<hbm>>
        tpu.wait_dma2 semaphore(%dma_wait3A_246 : memref<!tpu.dma_semaphore, #tpu.memory_space<semaphore_mem>>) src(%arg9 : memref<8x50x64xf32, #tpu.memory_space<vmem>>) dst(%dma_wait3A_250 : memref<8x50x64xf32, #tpu.memory_space<hbm>>)
      } else {
      }
      %add3A_84 = arith.constant 1 : i32
      %add3A_85 = arith.addi %add3A_78, %add3A_84 : i32
      %lt3A_86 = arith.constant 16 : i32
      %lt3A_87 = arith.cmpi slt, %add3A_85, %lt3A_86 : i32
      %convert_element_type3A_88 = arith.extui %lt3A_87 : i1 to i32
      %cond3A_89 = arith.constant 0 : i32
      %cond3A_90 = arith.cmpi ne, %convert_element_type3A_88, %cond3A_89 : i32
      scf.if %cond3A_90 {
        %add3A_240 = arith.constant 1 : i32
        %add3A_241 = arith.addi %add3A_78, %add3A_240 : i32
        %mul3A_242 = arith.constant 400 : i32
        %mul3A_243 = arith.muli %add3A_241, %mul3A_242 : i32
        %add3A_244 = arith.constant 0 : i32
        %add3A_245 = arith.addi %mul3A_243, %add3A_244 : i32
        %dma_start3A_246 = arith.constant 1 : i32
        %dma_start3A_247 = arith.constant 0 : i32
        %dma_start3A_248 = arith.constant 0 : i32
        %dma_start3A_249 = tpu.memref_slice %arg7[%dma_start3A_247, %dma_start3A_248] : memref<400x64xf32, #tpu.memory_space<vmem>> -> memref<96x64xf32, #tpu.memory_space<vmem>>
        %dma_start3A_250 = tpu.memref_slice %arg5[%add3A_245] : memref<6400xi32, #tpu.memory_space<vmem>> -> memref<96xi32, #tpu.memory_space<vmem>>
        %dma_start3A_251 = arith.constant 0 : i32
        %dma_start3A_252 = arith.constant 0 : i32
        %dma_start3A_253 = tpu.memref_slice %arg3[%dma_start3A_251, %dma_start3A_252] : memref<100000x64xf32, #tpu.memory_space<hbm>> -> memref<100000x64xf32, #tpu.memory_space<hbm>>
        %dma_start3A_254 = tpu.memref_slice %arg10[%dma_start3A_246] : memref<2x!tpu.dma_semaphore, #tpu.memory_space<semaphore_mem>> -> memref<1x!tpu.dma_semaphore, #tpu.memory_space<semaphore_mem>>
        %dma_start3A_255 = tpu.memref_squeeze %dma_start3A_254 : memref<1x!tpu.dma_semaphore, #tpu.memory_space<semaphore_mem>> -> memref<!tpu.dma_semaphore, #tpu.memory_space<semaphore_mem>>
        tpu.enqueue_indirect_dma source(%dma_start3A_253 : memref<100000x64xf32, #tpu.memory_space<hbm>>) target(%dma_start3A_249 : memref<96x64xf32, #tpu.memory_space<vmem>>) offsets(%dma_start3A_250 : memref<96xi32, #tpu.memory_space<vmem>>) semaphore(%dma_start3A_255 : memref<!tpu.dma_semaphore, #tpu.memory_space<semaphore_mem>>)
        %mul3A_256 = arith.constant 400 : i32
        %mul3A_257 = arith.muli %add3A_241, %mul3A_256 : i32
        %add3A_258 = arith.constant 96 : i32
        %add3A_259 = arith.addi %mul3A_257, %add3A_258 : i32
        %dma_start3A_260 = arith.constant 1 : i32
        %dma_start3A_261 = arith.constant 96 : i32
        %dma_start3A_262 = arith.constant 0 : i32
        %dma_start3A_263 = tpu.memref_slice %arg7[%dma_start3A_261, %dma_start3A_262] : memref<400x64xf32, #tpu.memory_space<vmem>> -> memref<96x64xf32, #tpu.memory_space<vmem>>
        %dma_start3A_264 = tpu.memref_slice %arg5[%add3A_259] : memref<6400xi32, #tpu.memory_space<vmem>> -> memref<96xi32, #tpu.memory_space<vmem>>
        %dma_start3A_265 = arith.constant 0 : i32
        %dma_start3A_266 = arith.constant 0 : i32
        %dma_start3A_267 = tpu.memref_slice %arg3[%dma_start3A_265, %dma_start3A_266] : memref<100000x64xf32, #tpu.memory_space<hbm>> -> memref<100000x64xf32, #tpu.memory_space<hbm>>
        %dma_start3A_268 = tpu.memref_slice %arg10[%dma_start3A_260] : memref<2x!tpu.dma_semaphore, #tpu.memory_space<semaphore_mem>> -> memref<1x!tpu.dma_semaphore, #tpu.memory_space<semaphore_mem>>
        %dma_start3A_269 = tpu.memref_squeeze %dma_start3A_268 : memref<1x!tpu.dma_semaphore, #tpu.memory_space<semaphore_mem>> -> memref<!tpu.dma_semaphore, #tpu.memory_space<semaphore_mem>>
        tpu.enqueue_indirect_dma source(%dma_start3A_267 : memref<100000x64xf32, #tpu.memory_space<hbm>>) target(%dma_start3A_263 : memref<96x64xf32, #tpu.memory_space<vmem>>) offsets(%dma_start3A_264 : memref<96xi32, #tpu.memory_space<vmem>>) semaphore(%dma_start3A_269 : memref<!tpu.dma_semaphore, #tpu.memory_space<semaphore_mem>>)
        %mul3A_270 = arith.constant 400 : i32
        %mul3A_271 = arith.muli %add3A_241, %mul3A_270 : i32
        %add3A_272 = arith.constant 192 : i32
        %add3A_273 = arith.addi %mul3A_271, %add3A_272 : i32
        %dma_start3A_274 = arith.constant 1 : i32
        %dma_start3A_275 = arith.constant 192 : i32
        %dma_start3A_276 = arith.constant 0 : i32
        %dma_start3A_277 = tpu.memref_slice %arg7[%dma_start3A_275, %dma_start3A_276] : memref<400x64xf32, #tpu.memory_space<vmem>> -> memref<96x64xf32, #tpu.memory_space<vmem>>
        %dma_start3A_278 = tpu.memref_slice %arg5[%add3A_273] : memref<6400xi32, #tpu.memory_space<vmem>> -> memref<96xi32, #tpu.memory_space<vmem>>
        %dma_start3A_279 = arith.constant 0 : i32
        %dma_start3A_280 = arith.constant 0 : i32
        %dma_start3A_281 = tpu.memref_slice %arg3[%dma_start3A_279, %dma_start3A_280] : memref<100000x64xf32, #tpu.memory_space<hbm>> -> memref<100000x64xf32, #tpu.memory_space<hbm>>
        %dma_start3A_282 = tpu.memref_slice %arg10[%dma_start3A_274] : memref<2x!tpu.dma_semaphore, #tpu.memory_space<semaphore_mem>> -> memref<1x!tpu.dma_semaphore, #tpu.memory_space<semaphore_mem>>
        %dma_start3A_283 = tpu.memref_squeeze %dma_start3A_282 : memref<1x!tpu.dma_semaphore, #tpu.memory_space<semaphore_mem>> -> memref<!tpu.dma_semaphore, #tpu.memory_space<semaphore_mem>>
        tpu.enqueue_indirect_dma source(%dma_start3A_281 : memref<100000x64xf32, #tpu.memory_space<hbm>>) target(%dma_start3A_277 : memref<96x64xf32, #tpu.memory_space<vmem>>) offsets(%dma_start3A_278 : memref<96xi32, #tpu.memory_space<vmem>>) semaphore(%dma_start3A_283 : memref<!tpu.dma_semaphore, #tpu.memory_space<semaphore_mem>>)
        %mul3A_284 = arith.constant 400 : i32
        %mul3A_285 = arith.muli %add3A_241, %mul3A_284 : i32
        %add3A_286 = arith.constant 288 : i32
        %add3A_287 = arith.addi %mul3A_285, %add3A_286 : i32
        %dma_start3A_288 = arith.constant 1 : i32
        %dma_start3A_289 = arith.constant 288 : i32
        %dma_start3A_290 = arith.constant 0 : i32
        %dma_start3A_291 = tpu.memref_slice %arg7[%dma_start3A_289, %dma_start3A_290] : memref<400x64xf32, #tpu.memory_space<vmem>> -> memref<112x64xf32, #tpu.memory_space<vmem>>
        %dma_start3A_292 = tpu.memref_slice %arg5[%add3A_287] : memref<6400xi32, #tpu.memory_space<vmem>> -> memref<112xi32, #tpu.memory_space<vmem>>
        %dma_start3A_293 = arith.constant 0 : i32
        %dma_start3A_294 = arith.constant 0 : i32
        %dma_start3A_295 = tpu.memref_slice %arg3[%dma_start3A_293, %dma_start3A_294] : memref<100000x64xf32, #tpu.memory_space<hbm>> -> memref<100000x64xf32, #tpu.memory_space<hbm>>
        %dma_start3A_296 = tpu.memref_slice %arg10[%dma_start3A_288] : memref<2x!tpu.dma_semaphore, #tpu.memory_space<semaphore_mem>> -> memref<1x!tpu.dma_semaphore, #tpu.memory_space<semaphore_mem>>
        %dma_start3A_297 = tpu.memref_squeeze %dma_start3A_296 : memref<1x!tpu.dma_semaphore, #tpu.memory_space<semaphore_mem>> -> memref<!tpu.dma_semaphore, #tpu.memory_space<semaphore_mem>>
        tpu.enqueue_indirect_dma source(%dma_start3A_295 : memref<100000x64xf32, #tpu.memory_space<hbm>>) target(%dma_start3A_291 : memref<112x64xf32, #tpu.memory_space<vmem>>) offsets(%dma_start3A_292 : memref<112xi32, #tpu.memory_space<vmem>>) semaphore(%dma_start3A_297 : memref<!tpu.dma_semaphore, #tpu.memory_space<semaphore_mem>>)
      } else {
      }
      %dma_wait3A_91 = arith.constant 0 : i32
      %dma_wait3A_92 = arith.constant 0 : i32
      %dma_wait3A_93 = arith.constant 0 : i32
      %dma_wait3A_94 = tpu.memref_slice %arg6[%dma_wait3A_92, %dma_wait3A_93] : memref<400x64xf32, #tpu.memory_space<vmem>> -> memref<96x64xf32, #tpu.memory_space<vmem>>
      %dma_wait3A_95 = arith.constant 0 : i32
      %dma_wait3A_96 = tpu.memref_slice %arg5[%dma_wait3A_95] : memref<6400xi32, #tpu.memory_space<vmem>> -> memref<96xi32, #tpu.memory_space<vmem>>
      %dma_wait3A_97 = arith.constant 0 : i32
      %dma_wait3A_98 = arith.constant 0 : i32
      %dma_wait3A_99 = tpu.memref_slice %arg3[%dma_wait3A_97, %dma_wait3A_98] : memref<100000x64xf32, #tpu.memory_space<hbm>> -> memref<100000x64xf32, #tpu.memory_space<hbm>>
      %dma_wait3A_100 = tpu.memref_slice %arg10[%dma_wait3A_91] : memref<2x!tpu.dma_semaphore, #tpu.memory_space<semaphore_mem>> -> memref<1x!tpu.dma_semaphore, #tpu.memory_space<semaphore_mem>>
      %dma_wait3A_101 = tpu.memref_squeeze %dma_wait3A_100 : memref<1x!tpu.dma_semaphore, #tpu.memory_space<semaphore_mem>> -> memref<!tpu.dma_semaphore, #tpu.memory_space<semaphore_mem>>
      tpu.wait_indirect_dma semaphore(%dma_wait3A_101 : memref<!tpu.dma_semaphore, #tpu.memory_space<semaphore_mem>>) src(%dma_wait3A_99 : memref<100000x64xf32, #tpu.memory_space<hbm>>) dst(%dma_wait3A_94 : memref<96x64xf32, #tpu.memory_space<vmem>>)
      %dma_wait3A_102 = arith.constant 0 : i32
      %dma_wait3A_103 = arith.constant 96 : i32
      %dma_wait3A_104 = arith.constant 0 : i32
      %dma_wait3A_105 = tpu.memref_slice %arg6[%dma_wait3A_103, %dma_wait3A_104] : memref<400x64xf32, #tpu.memory_space<vmem>> -> memref<96x64xf32, #tpu.memory_space<vmem>>
      %dma_wait3A_106 = arith.constant 96 : i32
      %dma_wait3A_107 = tpu.memref_slice %arg5[%dma_wait3A_106] : memref<6400xi32, #tpu.memory_space<vmem>> -> memref<96xi32, #tpu.memory_space<vmem>>
      %dma_wait3A_108 = arith.constant 0 : i32
      %dma_wait3A_109 = arith.constant 0 : i32
      %dma_wait3A_110 = tpu.memref_slice %arg3[%dma_wait3A_108, %dma_wait3A_109] : memref<100000x64xf32, #tpu.memory_space<hbm>> -> memref<100000x64xf32, #tpu.memory_space<hbm>>
      %dma_wait3A_111 = tpu.memref_slice %arg10[%dma_wait3A_102] : memref<2x!tpu.dma_semaphore, #tpu.memory_space<semaphore_mem>> -> memref<1x!tpu.dma_semaphore, #tpu.memory_space<semaphore_mem>>
      %dma_wait3A_112 = tpu.memref_squeeze %dma_wait3A_111 : memref<1x!tpu.dma_semaphore, #tpu.memory_space<semaphore_mem>> -> memref<!tpu.dma_semaphore, #tpu.memory_space<semaphore_mem>>
      tpu.wait_indirect_dma semaphore(%dma_wait3A_112 : memref<!tpu.dma_semaphore, #tpu.memory_space<semaphore_mem>>) src(%dma_wait3A_110 : memref<100000x64xf32, #tpu.memory_space<hbm>>) dst(%dma_wait3A_105 : memref<96x64xf32, #tpu.memory_space<vmem>>)
      %dma_wait3A_113 = arith.constant 0 : i32
      %dma_wait3A_114 = arith.constant 192 : i32
      %dma_wait3A_115 = arith.constant 0 : i32
      %dma_wait3A_116 = tpu.memref_slice %arg6[%dma_wait3A_114, %dma_wait3A_115] : memref<400x64xf32, #tpu.memory_space<vmem>> -> memref<96x64xf32, #tpu.memory_space<vmem>>
      %dma_wait3A_117 = arith.constant 192 : i32
      %dma_wait3A_118 = tpu.memref_slice %arg5[%dma_wait3A_117] : memref<6400xi32, #tpu.memory_space<vmem>> -> memref<96xi32, #tpu.memory_space<vmem>>
      %dma_wait3A_119 = arith.constant 0 : i32
      %dma_wait3A_120 = arith.constant 0 : i32
      %dma_wait3A_121 = tpu.memref_slice %arg3[%dma_wait3A_119, %dma_wait3A_120] : memref<100000x64xf32, #tpu.memory_space<hbm>> -> memref<100000x64xf32, #tpu.memory_space<hbm>>
      %dma_wait3A_122 = tpu.memref_slice %arg10[%dma_wait3A_113] : memref<2x!tpu.dma_semaphore, #tpu.memory_space<semaphore_mem>> -> memref<1x!tpu.dma_semaphore, #tpu.memory_space<semaphore_mem>>
      %dma_wait3A_123 = tpu.memref_squeeze %dma_wait3A_122 : memref<1x!tpu.dma_semaphore, #tpu.memory_space<semaphore_mem>> -> memref<!tpu.dma_semaphore, #tpu.memory_space<semaphore_mem>>
      tpu.wait_indirect_dma semaphore(%dma_wait3A_123 : memref<!tpu.dma_semaphore, #tpu.memory_space<semaphore_mem>>) src(%dma_wait3A_121 : memref<100000x64xf32, #tpu.memory_space<hbm>>) dst(%dma_wait3A_116 : memref<96x64xf32, #tpu.memory_space<vmem>>)
      %dma_wait3A_124 = arith.constant 0 : i32
      %dma_wait3A_125 = arith.constant 288 : i32
      %dma_wait3A_126 = arith.constant 0 : i32
      %dma_wait3A_127 = tpu.memref_slice %arg6[%dma_wait3A_125, %dma_wait3A_126] : memref<400x64xf32, #tpu.memory_space<vmem>> -> memref<112x64xf32, #tpu.memory_space<vmem>>
      %dma_wait3A_128 = arith.constant 288 : i32
      %dma_wait3A_129 = tpu.memref_slice %arg5[%dma_wait3A_128] : memref<6400xi32, #tpu.memory_space<vmem>> -> memref<112xi32, #tpu.memory_space<vmem>>
      %dma_wait3A_130 = arith.constant 0 : i32
      %dma_wait3A_131 = arith.constant 0 : i32
      %dma_wait3A_132 = tpu.memref_slice %arg3[%dma_wait3A_130, %dma_wait3A_131] : memref<100000x64xf32, #tpu.memory_space<hbm>> -> memref<100000x64xf32, #tpu.memory_space<hbm>>
      %dma_wait3A_133 = tpu.memref_slice %arg10[%dma_wait3A_124] : memref<2x!tpu.dma_semaphore, #tpu.memory_space<semaphore_mem>> -> memref<1x!tpu.dma_semaphore, #tpu.memory_space<semaphore_mem>>
      %dma_wait3A_134 = tpu.memref_squeeze %dma_wait3A_133 : memref<1x!tpu.dma_semaphore, #tpu.memory_space<semaphore_mem>> -> memref<!tpu.dma_semaphore, #tpu.memory_space<semaphore_mem>>
      tpu.wait_indirect_dma semaphore(%dma_wait3A_134 : memref<!tpu.dma_semaphore, #tpu.memory_space<semaphore_mem>>) src(%dma_wait3A_132 : memref<100000x64xf32, #tpu.memory_space<hbm>>) dst(%dma_wait3A_127 : memref<112x64xf32, #tpu.memory_space<vmem>>)
      %scan3A_135 = arith.constant 0 : i32
      %scan3A_136 = arith.constant 0 : i32
      %scan3A_137 = arith.constant 50 : i32
      %scan3A_138 = arith.addi %scan3A_136, %scan3A_137 : i32
      %scan3A_139 = arith.constant 1 : i32
      scf.for %scan3A_240 = %scan3A_136 to %scan3A_138 step %scan3A_139  : i32 {
        %scan3A_241 = arith.constant 0 : i32
        %scan3A_242 = arith.constant 8 : i32
        %scan3A_243 = arith.addi %scan3A_241, %scan3A_242 : i32
        %scan3A_244 = arith.constant 1 : i32
        scf.for %scan3A_246 = %scan3A_241 to %scan3A_243 step %scan3A_244  : i32 {
          %mul3A_247 = arith.constant 50 : i32
          %mul3A_248 = arith.muli %scan3A_246, %mul3A_247 : i32
          %add3A_249 = arith.addi %mul3A_248, %scan3A_240 : i32
          %get3A = arith.index_cast %add3A_249 : i32 to index
          %get3A_250 = arith.constant 0 : index
          %get3A_251 = tpu.vector_load %arg6[%get3A, %get3A_250] {strides = array<i32>} : memref<400x64xf32, #tpu.memory_space<vmem>>, vector<1x16xf32>,
          %get3A_252 = vector.shape_cast %get3A_251 : vector<1x16xf32> to vector<16xf32>
          %mul3A_253 = arith.constant 8.000000e+00 : f32
          %mul3A_254 = vector.broadcast %mul3A_253 : f32 to vector<16xf32>
          %mul3A_255 = arith.mulf %get3A_252, %mul3A_254 : vector<16xf32>
          %swap3A = arith.index_cast %scan3A_246 : i32 to index
          %swap3A_256 = arith.index_cast %scan3A_240 : i32 to index
          %swap3A_257 = arith.constant 0 : index
          %swap3A_258 = tpu.vector_load %arg8[%swap3A, %swap3A_256, %swap3A_257] {strides = array<i32>} : memref<8x50x64xf32, #tpu.memory_space<vmem>>, vector<1x1x16xf32>,
          %swap3A_259 = vector.shape_cast %swap3A_258 : vector<1x1x16xf32> to vector<16xf32>
          %swap3A_260 = vector.shape_cast %mul3A_255 : vector<16xf32> to vector<1x1x16xf32>
          tpu.vector_store %arg8[%swap3A, %swap3A_256, %swap3A_257], %swap3A_260 {strides = array<i32>} : memref<8x50x64xf32, #tpu.memory_space<vmem>>, vector<1x1x16xf32>,
          %get3A_261 = arith.index_cast %add3A_249 : i32 to index
          %get3A_262 = arith.constant 16 : index
          %get3A_263 = tpu.vector_load %arg6[%get3A_261, %get3A_262] {strides = array<i32>} : memref<400x64xf32, #tpu.memory_space<vmem>>, vector<1x16xf32>,
          %get3A_264 = vector.shape_cast %get3A_263 : vector<1x16xf32> to vector<16xf32>
          %mul3A_265 = arith.constant 8.000000e+00 : f32
          %mul3A_266 = vector.broadcast %mul3A_265 : f32 to vector<16xf32>
          %mul3A_267 = arith.mulf %get3A_264, %mul3A_266 : vector<16xf32>
          %swap3A_268 = arith.index_cast %scan3A_246 : i32 to index
          %swap3A_269 = arith.index_cast %scan3A_240 : i32 to index
          %swap3A_270 = arith.constant 16 : index
          %swap3A_271 = tpu.vector_load %arg8[%swap3A_268, %swap3A_269, %swap3A_270] {strides = array<i32>} : memref<8x50x64xf32, #tpu.memory_space<vmem>>, vector<1x1x16xf32>,
          %swap3A_272 = vector.shape_cast %swap3A_271 : vector<1x1x16xf32> to vector<16xf32>
          %swap3A_273 = vector.shape_cast %mul3A_267 : vector<16xf32> to vector<1x1x16xf32>
          tpu.vector_store %arg8[%swap3A_268, %swap3A_269, %swap3A_270], %swap3A_273 {strides = array<i32>} : memref<8x50x64xf32, #tpu.memory_space<vmem>>, vector<1x1x16xf32>,
          %get3A_274 = arith.index_cast %add3A_249 : i32 to index
          %get3A_275 = arith.constant 32 : index
          %get3A_276 = tpu.vector_load %arg6[%get3A_274, %get3A_275] {strides = array<i32>} : memref<400x64xf32, #tpu.memory_space<vmem>>, vector<1x16xf32>,
          %get3A_277 = vector.shape_cast %get3A_276 : vector<1x16xf32> to vector<16xf32>
          %mul3A_278 = arith.constant 8.000000e+00 : f32
          %mul3A_279 = vector.broadcast %mul3A_278 : f32 to vector<16xf32>
          %mul3A_280 = arith.mulf %get3A_277, %mul3A_279 : vector<16xf32>
          %swap3A_281 = arith.index_cast %scan3A_246 : i32 to index
          %swap3A_282 = arith.index_cast %scan3A_240 : i32 to index
          %swap3A_283 = arith.constant 32 : index
          %swap3A_284 = tpu.vector_load %arg8[%swap3A_281, %swap3A_282, %swap3A_283] {strides = array<i32>} : memref<8x50x64xf32, #tpu.memory_space<vmem>>, vector<1x1x16xf32>,
          %swap3A_285 = vector.shape_cast %swap3A_284 : vector<1x1x16xf32> to vector<16xf32>
          %swap3A_286 = vector.shape_cast %mul3A_280 : vector<16xf32> to vector<1x1x16xf32>
          tpu.vector_store %arg8[%swap3A_281, %swap3A_282, %swap3A_283], %swap3A_286 {strides = array<i32>} : memref<8x50x64xf32, #tpu.memory_space<vmem>>, vector<1x1x16xf32>,
          %get3A_287 = arith.index_cast %add3A_249 : i32 to index
          %get3A_288 = arith.constant 48 : index
          %get3A_289 = tpu.vector_load %arg6[%get3A_287, %get3A_288] {strides = array<i32>} : memref<400x64xf32, #tpu.memory_space<vmem>>, vector<1x16xf32>,
          %get3A_290 = vector.shape_cast %get3A_289 : vector<1x16xf32> to vector<16xf32>
          %mul3A_291 = arith.constant 8.000000e+00 : f32
          %mul3A_292 = vector.broadcast %mul3A_291 : f32 to vector<16xf32>
          %mul3A_293 = arith.mulf %get3A_290, %mul3A_292 : vector<16xf32>
          %swap3A_294 = arith.index_cast %scan3A_246 : i32 to index
          %swap3A_295 = arith.index_cast %scan3A_240 : i32 to index
          %swap3A_296 = arith.constant 48 : index
          %swap3A_297 = tpu.vector_load %arg8[%swap3A_294, %swap3A_295, %swap3A_296] {strides = array<i32>} : memref<8x50x64xf32, #tpu.memory_space<vmem>>, vector<1x1x16xf32>,
          %swap3A_298 = vector.shape_cast %swap3A_297 : vector<1x1x16xf32> to vector<16xf32>
          %swap3A_299 = vector.shape_cast %mul3A_293 : vector<16xf32> to vector<1x1x16xf32>
          tpu.vector_store %arg8[%swap3A_294, %swap3A_295, %swap3A_296], %swap3A_299 {strides = array<i32>} : memref<8x50x64xf32, #tpu.memory_space<vmem>>, vector<1x1x16xf32>,
        }
        %scan3A_245 = arith.constant 8 : i32
      }
      %scan3A_140 = arith.constant 50 : i32
      %mul3A_141 = arith.constant 128 : i32
      %mul3A_142 = arith.muli %add3A, %mul3A_141 : i32
      %mul3A_143 = arith.constant 8 : i32
      %mul3A_144 = arith.muli %mul3A_143, %add3A_78 : i32
      %add3A_145 = arith.addi %mul3A_142, %mul3A_144 : i32
      %dma_start3A_146 = arith.constant 0 : i32
      %dma_start3A_147 = arith.constant 0 : i32
      %dma_start3A_148 = arith.constant 0 : i32
      %dma_start3A_149 = tpu.memref_slice %arg4[%add3A_145, %dma_start3A_147, %dma_start3A_148] : memref<4096x50x64xf32, #tpu.memory_space<hbm>> -> memref<8x50x64xf32, #tpu.memory_space<hbm>>
      %dma_start3A_150 = tpu.memref_slice %arg11[%dma_start3A_146] : memref<2x!tpu.dma_semaphore, #tpu.memory_space<semaphore_mem>> -> memref<1x!tpu.dma_semaphore, #tpu.memory_space<semaphore_mem>>
      %dma_start3A_151 = tpu.memref_squeeze %dma_start3A_150 : memref<1x!tpu.dma_semaphore, #tpu.memory_space<semaphore_mem>> -> memref<!tpu.dma_semaphore, #tpu.memory_space<semaphore_mem>>
      %dma_start3A_152 = arith.constant 0 : i32
      %dma_start3A_153 = arith.constant 0 : i32
      %dma_start3A_154 = tpu.memref_slice %arg4[%add3A_145, %dma_start3A_152, %dma_start3A_153] : memref<4096x50x64xf32, #tpu.memory_space<hbm>> -> memref<8x50x64xf32, #tpu.memory_space<hbm>>
      tpu.enqueue_dma source(%arg8 : memref<8x50x64xf32, #tpu.memory_space<vmem>>) target(%dma_start3A_154 : memref<8x50x64xf32, #tpu.memory_space<hbm>>) target_semaphore(%dma_start3A_151 : memref<!tpu.dma_semaphore, #tpu.memory_space<semaphore_mem>>)
      %mul3A_155 = arith.constant 2 : i32
      %mul3A_156 = arith.muli %mul3A_155, %scan3A_74 : i32
      %add3A_157 = arith.constant 1 : i32
      %add3A_158 = arith.addi %mul3A_156, %add3A_157 : i32
      %ge3A_159 = arith.constant 1 : i32
      %ge3A_160 = arith.cmpi sge, %add3A_158, %ge3A_159 : i32
      %add3A_161 = arith.constant 1 : i32
      %add3A_162 = arith.addi %add3A_158, %add3A_161 : i32
      %lt3A_163 = arith.constant 16 : i32
      %lt3A_164 = arith.cmpi slt, %add3A_162, %lt3A_163 : i32
      %and3A_165 = arith.andi %ge3A_160, %lt3A_164 : i1
      %convert_element_type3A_166 = arith.extui %and3A_165 : i1 to i32
      %cond3A_167 = arith.constant 0 : i32
      %cond3A_168 = arith.cmpi ne, %convert_element_type3A_166, %cond3A_167 : i32
      scf.if %cond3A_168 {
        %dma_wait3A_240 = arith.constant 0 : i32
        %dma_wait3A_241 = arith.constant 0 : i32
        %dma_wait3A_242 = arith.constant 0 : i32
        %dma_wait3A_243 = arith.constant 0 : i32
        %dma_wait3A_244 = tpu.memref_slice %arg4[%dma_wait3A_241, %dma_wait3A_242, %dma_wait3A_243] : memref<4096x50x64xf32, #tpu.memory_space<hbm>> -> memref<8x50x64xf32, #tpu.memory_space<hbm>>
        %dma_wait3A_245 = tpu.memref_slice %arg11[%dma_wait3A_240] : memref<2x!tpu.dma_semaphore, #tpu.memory_space<semaphore_mem>> -> memref<1x!tpu.dma_semaphore, #tpu.memory_space<semaphore_mem>>
        %dma_wait3A_246 = tpu.memref_squeeze %dma_wait3A_245 : memref<1x!tpu.dma_semaphore, #tpu.memory_space<semaphore_mem>> -> memref<!tpu.dma_semaphore, #tpu.memory_space<semaphore_mem>>
        %dma_wait3A_247 = arith.constant 0 : i32
        %dma_wait3A_248 = arith.constant 0 : i32
        %dma_wait3A_249 = arith.constant 0 : i32
        %dma_wait3A_250 = tpu.memref_slice %arg4[%dma_wait3A_247, %dma_wait3A_248, %dma_wait3A_249] : memref<4096x50x64xf32, #tpu.memory_space<hbm>> -> memref<8x50x64xf32, #tpu.memory_space<hbm>>
        tpu.wait_dma2 semaphore(%dma_wait3A_246 : memref<!tpu.dma_semaphore, #tpu.memory_space<semaphore_mem>>) src(%arg8 : memref<8x50x64xf32, #tpu.memory_space<vmem>>) dst(%dma_wait3A_250 : memref<8x50x64xf32, #tpu.memory_space<hbm>>)
      } else {
      }
      %add3A_169 = arith.constant 1 : i32
      %add3A_170 = arith.addi %add3A_158, %add3A_169 : i32
      %lt3A_171 = arith.constant 16 : i32
      %lt3A_172 = arith.cmpi slt, %add3A_170, %lt3A_171 : i32
      %convert_element_type3A_173 = arith.extui %lt3A_172 : i1 to i32
      %cond3A_174 = arith.constant 0 : i32
      %cond3A_175 = arith.cmpi ne, %convert_element_type3A_173, %cond3A_174 : i32
      scf.if %cond3A_175 {
        %add3A_240 = arith.constant 1 : i32
        %add3A_241 = arith.addi %add3A_158, %add3A_240 : i32
        %mul3A_242 = arith.constant 400 : i32
        %mul3A_243 = arith.muli %add3A_241, %mul3A_242 : i32
        %add3A_244 = arith.constant 0 : i32
        %add3A_245 = arith.addi %mul3A_243, %add3A_244 : i32
        %dma_start3A_246 = arith.constant 0 : i32
        %dma_start3A_247 = arith.constant 0 : i32
        %dma_start3A_248 = arith.constant 0 : i32
        %dma_start3A_249 = tpu.memref_slice %arg6[%dma_start3A_247, %dma_start3A_248] : memref<400x64xf32, #tpu.memory_space<vmem>> -> memref<96x64xf32, #tpu.memory_space<vmem>>
        %dma_start3A_250 = tpu.memref_slice %arg5[%add3A_245] : memref<6400xi32, #tpu.memory_space<vmem>> -> memref<96xi32, #tpu.memory_space<vmem>>
        %dma_start3A_251 = arith.constant 0 : i32
        %dma_start3A_252 = arith.constant 0 : i32
        %dma_start3A_253 = tpu.memref_slice %arg3[%dma_start3A_251, %dma_start3A_252] : memref<100000x64xf32, #tpu.memory_space<hbm>> -> memref<100000x64xf32, #tpu.memory_space<hbm>>
        %dma_start3A_254 = tpu.memref_slice %arg10[%dma_start3A_246] : memref<2x!tpu.dma_semaphore, #tpu.memory_space<semaphore_mem>> -> memref<1x!tpu.dma_semaphore, #tpu.memory_space<semaphore_mem>>
        %dma_start3A_255 = tpu.memref_squeeze %dma_start3A_254 : memref<1x!tpu.dma_semaphore, #tpu.memory_space<semaphore_mem>> -> memref<!tpu.dma_semaphore, #tpu.memory_space<semaphore_mem>>
        tpu.enqueue_indirect_dma source(%dma_start3A_253 : memref<100000x64xf32, #tpu.memory_space<hbm>>) target(%dma_start3A_249 : memref<96x64xf32, #tpu.memory_space<vmem>>) offsets(%dma_start3A_250 : memref<96xi32, #tpu.memory_space<vmem>>) semaphore(%dma_start3A_255 : memref<!tpu.dma_semaphore, #tpu.memory_space<semaphore_mem>>)
        %mul3A_256 = arith.constant 400 : i32
        %mul3A_257 = arith.muli %add3A_241, %mul3A_256 : i32
        %add3A_258 = arith.constant 96 : i32
        %add3A_259 = arith.addi %mul3A_257, %add3A_258 : i32
        %dma_start3A_260 = arith.constant 0 : i32
        %dma_start3A_261 = arith.constant 96 : i32
        %dma_start3A_262 = arith.constant 0 : i32
        %dma_start3A_263 = tpu.memref_slice %arg6[%dma_start3A_261, %dma_start3A_262] : memref<400x64xf32, #tpu.memory_space<vmem>> -> memref<96x64xf32, #tpu.memory_space<vmem>>
        %dma_start3A_264 = tpu.memref_slice %arg5[%add3A_259] : memref<6400xi32, #tpu.memory_space<vmem>> -> memref<96xi32, #tpu.memory_space<vmem>>
        %dma_start3A_265 = arith.constant 0 : i32
        %dma_start3A_266 = arith.constant 0 : i32
        %dma_start3A_267 = tpu.memref_slice %arg3[%dma_start3A_265, %dma_start3A_266] : memref<100000x64xf32, #tpu.memory_space<hbm>> -> memref<100000x64xf32, #tpu.memory_space<hbm>>
        %dma_start3A_268 = tpu.memref_slice %arg10[%dma_start3A_260] : memref<2x!tpu.dma_semaphore, #tpu.memory_space<semaphore_mem>> -> memref<1x!tpu.dma_semaphore, #tpu.memory_space<semaphore_mem>>
        %dma_start3A_269 = tpu.memref_squeeze %dma_start3A_268 : memref<1x!tpu.dma_semaphore, #tpu.memory_space<semaphore_mem>> -> memref<!tpu.dma_semaphore, #tpu.memory_space<semaphore_mem>>
        tpu.enqueue_indirect_dma source(%dma_start3A_267 : memref<100000x64xf32, #tpu.memory_space<hbm>>) target(%dma_start3A_263 : memref<96x64xf32, #tpu.memory_space<vmem>>) offsets(%dma_start3A_264 : memref<96xi32, #tpu.memory_space<vmem>>) semaphore(%dma_start3A_269 : memref<!tpu.dma_semaphore, #tpu.memory_space<semaphore_mem>>)
        %mul3A_270 = arith.constant 400 : i32
        %mul3A_271 = arith.muli %add3A_241, %mul3A_270 : i32
        %add3A_272 = arith.constant 192 : i32
        %add3A_273 = arith.addi %mul3A_271, %add3A_272 : i32
        %dma_start3A_274 = arith.constant 0 : i32
        %dma_start3A_275 = arith.constant 192 : i32
        %dma_start3A_276 = arith.constant 0 : i32
        %dma_start3A_277 = tpu.memref_slice %arg6[%dma_start3A_275, %dma_start3A_276] : memref<400x64xf32, #tpu.memory_space<vmem>> -> memref<96x64xf32, #tpu.memory_space<vmem>>
        %dma_start3A_278 = tpu.memref_slice %arg5[%add3A_273] : memref<6400xi32, #tpu.memory_space<vmem>> -> memref<96xi32, #tpu.memory_space<vmem>>
        %dma_start3A_279 = arith.constant 0 : i32
        %dma_start3A_280 = arith.constant 0 : i32
        %dma_start3A_281 = tpu.memref_slice %arg3[%dma_start3A_279, %dma_start3A_280] : memref<100000x64xf32, #tpu.memory_space<hbm>> -> memref<100000x64xf32, #tpu.memory_space<hbm>>
        %dma_start3A_282 = tpu.memref_slice %arg10[%dma_start3A_274] : memref<2x!tpu.dma_semaphore, #tpu.memory_space<semaphore_mem>> -> memref<1x!tpu.dma_semaphore, #tpu.memory_space<semaphore_mem>>
        %dma_start3A_283 = tpu.memref_squeeze %dma_start3A_282 : memref<1x!tpu.dma_semaphore, #tpu.memory_space<semaphore_mem>> -> memref<!tpu.dma_semaphore, #tpu.memory_space<semaphore_mem>>
        tpu.enqueue_indirect_dma source(%dma_start3A_281 : memref<100000x64xf32, #tpu.memory_space<hbm>>) target(%dma_start3A_277 : memref<96x64xf32, #tpu.memory_space<vmem>>) offsets(%dma_start3A_278 : memref<96xi32, #tpu.memory_space<vmem>>) semaphore(%dma_start3A_283 : memref<!tpu.dma_semaphore, #tpu.memory_space<semaphore_mem>>)
        %mul3A_284 = arith.constant 400 : i32
        %mul3A_285 = arith.muli %add3A_241, %mul3A_284 : i32
        %add3A_286 = arith.constant 288 : i32
        %add3A_287 = arith.addi %mul3A_285, %add3A_286 : i32
        %dma_start3A_288 = arith.constant 0 : i32
        %dma_start3A_289 = arith.constant 288 : i32
        %dma_start3A_290 = arith.constant 0 : i32
        %dma_start3A_291 = tpu.memref_slice %arg6[%dma_start3A_289, %dma_start3A_290] : memref<400x64xf32, #tpu.memory_space<vmem>> -> memref<112x64xf32, #tpu.memory_space<vmem>>
        %dma_start3A_292 = tpu.memref_slice %arg5[%add3A_287] : memref<6400xi32, #tpu.memory_space<vmem>> -> memref<112xi32, #tpu.memory_space<vmem>>
        %dma_start3A_293 = arith.constant 0 : i32
        %dma_start3A_294 = arith.constant 0 : i32
        %dma_start3A_295 = tpu.memref_slice %arg3[%dma_start3A_293, %dma_start3A_294] : memref<100000x64xf32, #tpu.memory_space<hbm>> -> memref<100000x64xf32, #tpu.memory_space<hbm>>
        %dma_start3A_296 = tpu.memref_slice %arg10[%dma_start3A_288] : memref<2x!tpu.dma_semaphore, #tpu.memory_space<semaphore_mem>> -> memref<1x!tpu.dma_semaphore, #tpu.memory_space<semaphore_mem>>
        %dma_start3A_297 = tpu.memref_squeeze %dma_start3A_296 : memref<1x!tpu.dma_semaphore, #tpu.memory_space<semaphore_mem>> -> memref<!tpu.dma_semaphore, #tpu.memory_space<semaphore_mem>>
        tpu.enqueue_indirect_dma source(%dma_start3A_295 : memref<100000x64xf32, #tpu.memory_space<hbm>>) target(%dma_start3A_291 : memref<112x64xf32, #tpu.memory_space<vmem>>) offsets(%dma_start3A_292 : memref<112xi32, #tpu.memory_space<vmem>>) semaphore(%dma_start3A_297 : memref<!tpu.dma_semaphore, #tpu.memory_space<semaphore_mem>>)
      } else {
      }
      %dma_wait3A_176 = arith.constant 1 : i32
      %dma_wait3A_177 = arith.constant 0 : i32
      %dma_wait3A_178 = arith.constant 0 : i32
      %dma_wait3A_179 = tpu.memref_slice %arg7[%dma_wait3A_177, %dma_wait3A_178] : memref<400x64xf32, #tpu.memory_space<vmem>> -> memref<96x64xf32, #tpu.memory_space<vmem>>
      %dma_wait3A_180 = arith.constant 0 : i32
      %dma_wait3A_181 = tpu.memref_slice %arg5[%dma_wait3A_180] : memref<6400xi32, #tpu.memory_space<vmem>> -> memref<96xi32, #tpu.memory_space<vmem>>
      %dma_wait3A_182 = arith.constant 0 : i32
      %dma_wait3A_183 = arith.constant 0 : i32
      %dma_wait3A_184 = tpu.memref_slice %arg3[%dma_wait3A_182, %dma_wait3A_183] : memref<100000x64xf32, #tpu.memory_space<hbm>> -> memref<100000x64xf32, #tpu.memory_space<hbm>>
      %dma_wait3A_185 = tpu.memref_slice %arg10[%dma_wait3A_176] : memref<2x!tpu.dma_semaphore, #tpu.memory_space<semaphore_mem>> -> memref<1x!tpu.dma_semaphore, #tpu.memory_space<semaphore_mem>>
      %dma_wait3A_186 = tpu.memref_squeeze %dma_wait3A_185 : memref<1x!tpu.dma_semaphore, #tpu.memory_space<semaphore_mem>> -> memref<!tpu.dma_semaphore, #tpu.memory_space<semaphore_mem>>
      tpu.wait_indirect_dma semaphore(%dma_wait3A_186 : memref<!tpu.dma_semaphore, #tpu.memory_space<semaphore_mem>>) src(%dma_wait3A_184 : memref<100000x64xf32, #tpu.memory_space<hbm>>) dst(%dma_wait3A_179 : memref<96x64xf32, #tpu.memory_space<vmem>>)
      %dma_wait3A_187 = arith.constant 1 : i32
      %dma_wait3A_188 = arith.constant 96 : i32
      %dma_wait3A_189 = arith.constant 0 : i32
      %dma_wait3A_190 = tpu.memref_slice %arg7[%dma_wait3A_188, %dma_wait3A_189] : memref<400x64xf32, #tpu.memory_space<vmem>> -> memref<96x64xf32, #tpu.memory_space<vmem>>
      %dma_wait3A_191 = arith.constant 96 : i32
      %dma_wait3A_192 = tpu.memref_slice %arg5[%dma_wait3A_191] : memref<6400xi32, #tpu.memory_space<vmem>> -> memref<96xi32, #tpu.memory_space<vmem>>
      %dma_wait3A_193 = arith.constant 0 : i32
      %dma_wait3A_194 = arith.constant 0 : i32
      %dma_wait3A_195 = tpu.memref_slice %arg3[%dma_wait3A_193, %dma_wait3A_194] : memref<100000x64xf32, #tpu.memory_space<hbm>> -> memref<100000x64xf32, #tpu.memory_space<hbm>>
      %dma_wait3A_196 = tpu.memref_slice %arg10[%dma_wait3A_187] : memref<2x!tpu.dma_semaphore, #tpu.memory_space<semaphore_mem>> -> memref<1x!tpu.dma_semaphore, #tpu.memory_space<semaphore_mem>>
      %dma_wait3A_197 = tpu.memref_squeeze %dma_wait3A_196 : memref<1x!tpu.dma_semaphore, #tpu.memory_space<semaphore_mem>> -> memref<!tpu.dma_semaphore, #tpu.memory_space<semaphore_mem>>
      tpu.wait_indirect_dma semaphore(%dma_wait3A_197 : memref<!tpu.dma_semaphore, #tpu.memory_space<semaphore_mem>>) src(%dma_wait3A_195 : memref<100000x64xf32, #tpu.memory_space<hbm>>) dst(%dma_wait3A_190 : memref<96x64xf32, #tpu.memory_space<vmem>>)
      %dma_wait3A_198 = arith.constant 1 : i32
      %dma_wait3A_199 = arith.constant 192 : i32
      %dma_wait3A_200 = arith.constant 0 : i32
      %dma_wait3A_201 = tpu.memref_slice %arg7[%dma_wait3A_199, %dma_wait3A_200] : memref<400x64xf32, #tpu.memory_space<vmem>> -> memref<96x64xf32, #tpu.memory_space<vmem>>
      %dma_wait3A_202 = arith.constant 192 : i32
      %dma_wait3A_203 = tpu.memref_slice %arg5[%dma_wait3A_202] : memref<6400xi32, #tpu.memory_space<vmem>> -> memref<96xi32, #tpu.memory_space<vmem>>
      %dma_wait3A_204 = arith.constant 0 : i32
      %dma_wait3A_205 = arith.constant 0 : i32
      %dma_wait3A_206 = tpu.memref_slice %arg3[%dma_wait3A_204, %dma_wait3A_205] : memref<100000x64xf32, #tpu.memory_space<hbm>> -> memref<100000x64xf32, #tpu.memory_space<hbm>>
      %dma_wait3A_207 = tpu.memref_slice %arg10[%dma_wait3A_198] : memref<2x!tpu.dma_semaphore, #tpu.memory_space<semaphore_mem>> -> memref<1x!tpu.dma_semaphore, #tpu.memory_space<semaphore_mem>>
      %dma_wait3A_208 = tpu.memref_squeeze %dma_wait3A_207 : memref<1x!tpu.dma_semaphore, #tpu.memory_space<semaphore_mem>> -> memref<!tpu.dma_semaphore, #tpu.memory_space<semaphore_mem>>
      tpu.wait_indirect_dma semaphore(%dma_wait3A_208 : memref<!tpu.dma_semaphore, #tpu.memory_space<semaphore_mem>>) src(%dma_wait3A_206 : memref<100000x64xf32, #tpu.memory_space<hbm>>) dst(%dma_wait3A_201 : memref<96x64xf32, #tpu.memory_space<vmem>>)
      %dma_wait3A_209 = arith.constant 1 : i32
      %dma_wait3A_210 = arith.constant 288 : i32
      %dma_wait3A_211 = arith.constant 0 : i32
      %dma_wait3A_212 = tpu.memref_slice %arg7[%dma_wait3A_210, %dma_wait3A_211] : memref<400x64xf32, #tpu.memory_space<vmem>> -> memref<112x64xf32, #tpu.memory_space<vmem>>
      %dma_wait3A_213 = arith.constant 288 : i32
      %dma_wait3A_214 = tpu.memref_slice %arg5[%dma_wait3A_213] : memref<6400xi32, #tpu.memory_space<vmem>> -> memref<112xi32, #tpu.memory_space<vmem>>
      %dma_wait3A_215 = arith.constant 0 : i32
      %dma_wait3A_216 = arith.constant 0 : i32
      %dma_wait3A_217 = tpu.memref_slice %arg3[%dma_wait3A_215, %dma_wait3A_216] : memref<100000x64xf32, #tpu.memory_space<hbm>> -> memref<100000x64xf32, #tpu.memory_space<hbm>>
      %dma_wait3A_218 = tpu.memref_slice %arg10[%dma_wait3A_209] : memref<2x!tpu.dma_semaphore, #tpu.memory_space<semaphore_mem>> -> memref<1x!tpu.dma_semaphore, #tpu.memory_space<semaphore_mem>>
      %dma_wait3A_219 = tpu.memref_squeeze %dma_wait3A_218 : memref<1x!tpu.dma_semaphore, #tpu.memory_space<semaphore_mem>> -> memref<!tpu.dma_semaphore, #tpu.memory_space<semaphore_mem>>
      tpu.wait_indirect_dma semaphore(%dma_wait3A_219 : memref<!tpu.dma_semaphore, #tpu.memory_space<semaphore_mem>>) src(%dma_wait3A_217 : memref<100000x64xf32, #tpu.memory_space<hbm>>) dst(%dma_wait3A_212 : memref<112x64xf32, #tpu.memory_space<vmem>>)
      %scan3A_220 = arith.constant 0 : i32
      %scan3A_221 = arith.constant 0 : i32
      %scan3A_222 = arith.constant 50 : i32
      %scan3A_223 = arith.addi %scan3A_221, %scan3A_222 : i32
      %scan3A_224 = arith.constant 1 : i32
      scf.for %scan3A_240 = %scan3A_221 to %scan3A_223 step %scan3A_224  : i32 {
        %scan3A_241 = arith.constant 0 : i32
        %scan3A_242 = arith.constant 8 : i32
        %scan3A_243 = arith.addi %scan3A_241, %scan3A_242 : i32
        %scan3A_244 = arith.constant 1 : i32
        scf.for %scan3A_246 = %scan3A_241 to %scan3A_243 step %scan3A_244  : i32 {
          %mul3A_247 = arith.constant 50 : i32
          %mul3A_248 = arith.muli %scan3A_246, %mul3A_247 : i32
          %add3A_249 = arith.addi %mul3A_248, %scan3A_240 : i32
          %get3A = arith.index_cast %add3A_249 : i32 to index
          %get3A_250 = arith.constant 0 : index
          %get3A_251 = tpu.vector_load %arg7[%get3A, %get3A_250] {strides = array<i32>} : memref<400x64xf32, #tpu.memory_space<vmem>>, vector<1x16xf32>,
          %get3A_252 = vector.shape_cast %get3A_251 : vector<1x16xf32> to vector<16xf32>
          %mul3A_253 = arith.constant 8.000000e+00 : f32
          %mul3A_254 = vector.broadcast %mul3A_253 : f32 to vector<16xf32>
          %mul3A_255 = arith.mulf %get3A_252, %mul3A_254 : vector<16xf32>
          %swap3A = arith.index_cast %scan3A_246 : i32 to index
          %swap3A_256 = arith.index_cast %scan3A_240 : i32 to index
          %swap3A_257 = arith.constant 0 : index
          %swap3A_258 = tpu.vector_load %arg9[%swap3A, %swap3A_256, %swap3A_257] {strides = array<i32>} : memref<8x50x64xf32, #tpu.memory_space<vmem>>, vector<1x1x16xf32>,
          %swap3A_259 = vector.shape_cast %swap3A_258 : vector<1x1x16xf32> to vector<16xf32>
          %swap3A_260 = vector.shape_cast %mul3A_255 : vector<16xf32> to vector<1x1x16xf32>
          tpu.vector_store %arg9[%swap3A, %swap3A_256, %swap3A_257], %swap3A_260 {strides = array<i32>} : memref<8x50x64xf32, #tpu.memory_space<vmem>>, vector<1x1x16xf32>,
          %get3A_261 = arith.index_cast %add3A_249 : i32 to index
          %get3A_262 = arith.constant 16 : index
          %get3A_263 = tpu.vector_load %arg7[%get3A_261, %get3A_262] {strides = array<i32>} : memref<400x64xf32, #tpu.memory_space<vmem>>, vector<1x16xf32>,
          %get3A_264 = vector.shape_cast %get3A_263 : vector<1x16xf32> to vector<16xf32>
          %mul3A_265 = arith.constant 8.000000e+00 : f32
          %mul3A_266 = vector.broadcast %mul3A_265 : f32 to vector<16xf32>
          %mul3A_267 = arith.mulf %get3A_264, %mul3A_266 : vector<16xf32>
          %swap3A_268 = arith.index_cast %scan3A_246 : i32 to index
          %swap3A_269 = arith.index_cast %scan3A_240 : i32 to index
          %swap3A_270 = arith.constant 16 : index
          %swap3A_271 = tpu.vector_load %arg9[%swap3A_268, %swap3A_269, %swap3A_270] {strides = array<i32>} : memref<8x50x64xf32, #tpu.memory_space<vmem>>, vector<1x1x16xf32>,
          %swap3A_272 = vector.shape_cast %swap3A_271 : vector<1x1x16xf32> to vector<16xf32>
          %swap3A_273 = vector.shape_cast %mul3A_267 : vector<16xf32> to vector<1x1x16xf32>
          tpu.vector_store %arg9[%swap3A_268, %swap3A_269, %swap3A_270], %swap3A_273 {strides = array<i32>} : memref<8x50x64xf32, #tpu.memory_space<vmem>>, vector<1x1x16xf32>,
          %get3A_274 = arith.index_cast %add3A_249 : i32 to index
          %get3A_275 = arith.constant 32 : index
          %get3A_276 = tpu.vector_load %arg7[%get3A_274, %get3A_275] {strides = array<i32>} : memref<400x64xf32, #tpu.memory_space<vmem>>, vector<1x16xf32>,
          %get3A_277 = vector.shape_cast %get3A_276 : vector<1x16xf32> to vector<16xf32>
          %mul3A_278 = arith.constant 8.000000e+00 : f32
          %mul3A_279 = vector.broadcast %mul3A_278 : f32 to vector<16xf32>
          %mul3A_280 = arith.mulf %get3A_277, %mul3A_279 : vector<16xf32>
          %swap3A_281 = arith.index_cast %scan3A_246 : i32 to index
          %swap3A_282 = arith.index_cast %scan3A_240 : i32 to index
          %swap3A_283 = arith.constant 32 : index
          %swap3A_284 = tpu.vector_load %arg9[%swap3A_281, %swap3A_282, %swap3A_283] {strides = array<i32>} : memref<8x50x64xf32, #tpu.memory_space<vmem>>, vector<1x1x16xf32>,
          %swap3A_285 = vector.shape_cast %swap3A_284 : vector<1x1x16xf32> to vector<16xf32>
          %swap3A_286 = vector.shape_cast %mul3A_280 : vector<16xf32> to vector<1x1x16xf32>
          tpu.vector_store %arg9[%swap3A_281, %swap3A_282, %swap3A_283], %swap3A_286 {strides = array<i32>} : memref<8x50x64xf32, #tpu.memory_space<vmem>>, vector<1x1x16xf32>,
          %get3A_287 = arith.index_cast %add3A_249 : i32 to index
          %get3A_288 = arith.constant 48 : index
          %get3A_289 = tpu.vector_load %arg7[%get3A_287, %get3A_288] {strides = array<i32>} : memref<400x64xf32, #tpu.memory_space<vmem>>, vector<1x16xf32>,
          %get3A_290 = vector.shape_cast %get3A_289 : vector<1x16xf32> to vector<16xf32>
          %mul3A_291 = arith.constant 8.000000e+00 : f32
          %mul3A_292 = vector.broadcast %mul3A_291 : f32 to vector<16xf32>
          %mul3A_293 = arith.mulf %get3A_290, %mul3A_292 : vector<16xf32>
          %swap3A_294 = arith.index_cast %scan3A_246 : i32 to index
          %swap3A_295 = arith.index_cast %scan3A_240 : i32 to index
          %swap3A_296 = arith.constant 48 : index
          %swap3A_297 = tpu.vector_load %arg9[%swap3A_294, %swap3A_295, %swap3A_296] {strides = array<i32>} : memref<8x50x64xf32, #tpu.memory_space<vmem>>, vector<1x1x16xf32>,
          %swap3A_298 = vector.shape_cast %swap3A_297 : vector<1x1x16xf32> to vector<16xf32>
          %swap3A_299 = vector.shape_cast %mul3A_293 : vector<16xf32> to vector<1x1x16xf32>
          tpu.vector_store %arg9[%swap3A_294, %swap3A_295, %swap3A_296], %swap3A_299 {strides = array<i32>} : memref<8x50x64xf32, #tpu.memory_space<vmem>>, vector<1x1x16xf32>,
        }
        %scan3A_245 = arith.constant 8 : i32
      }
      %scan3A_225 = arith.constant 50 : i32
      %mul3A_226 = arith.constant 128 : i32
      %mul3A_227 = arith.muli %add3A, %mul3A_226 : i32
      %mul3A_228 = arith.constant 8 : i32
      %mul3A_229 = arith.muli %mul3A_228, %add3A_158 : i32
      %add3A_230 = arith.addi %mul3A_227, %mul3A_229 : i32
      %dma_start3A_231 = arith.constant 1 : i32
      %dma_start3A_232 = arith.constant 0 : i32
      %dma_start3A_233 = arith.constant 0 : i32
      %dma_start3A_234 = tpu.memref_slice %arg4[%add3A_230, %dma_start3A_232, %dma_start3A_233] : memref<4096x50x64xf32, #tpu.memory_space<hbm>> -> memref<8x50x64xf32, #tpu.memory_space<hbm>>
      %dma_start3A_235 = tpu.memref_slice %arg11[%dma_start3A_231] : memref<2x!tpu.dma_semaphore, #tpu.memory_space<semaphore_mem>> -> memref<1x!tpu.dma_semaphore, #tpu.memory_space<semaphore_mem>>
      %dma_start3A_236 = tpu.memref_squeeze %dma_start3A_235 : memref<1x!tpu.dma_semaphore, #tpu.memory_space<semaphore_mem>> -> memref<!tpu.dma_semaphore, #tpu.memory_space<semaphore_mem>>
      %dma_start3A_237 = arith.constant 0 : i32
      %dma_start3A_238 = arith.constant 0 : i32
      %dma_start3A_239 = tpu.memref_slice %arg4[%add3A_230, %dma_start3A_237, %dma_start3A_238] : memref<4096x50x64xf32, #tpu.memory_space<hbm>> -> memref<8x50x64xf32, #tpu.memory_space<hbm>>
      tpu.enqueue_dma source(%arg9 : memref<8x50x64xf32, #tpu.memory_space<vmem>>) target(%dma_start3A_239 : memref<8x50x64xf32, #tpu.memory_space<hbm>>) target_semaphore(%dma_start3A_236 : memref<!tpu.dma_semaphore, #tpu.memory_space<semaphore_mem>>)
    }
    %scan3A_52 = arith.constant 8 : i32
    %dma_wait3A = arith.constant 0 : i32
    %dma_wait3A_53 = arith.constant 0 : i32
    %dma_wait3A_54 = arith.constant 0 : i32
    %dma_wait3A_55 = arith.constant 0 : i32
    %dma_wait3A_56 = tpu.memref_slice %arg4[%dma_wait3A_53, %dma_wait3A_54, %dma_wait3A_55] : memref<4096x50x64xf32, #tpu.memory_space<hbm>> -> memref<8x50x64xf32, #tpu.memory_space<hbm>>
    %dma_wait3A_57 = tpu.memref_slice %arg11[%dma_wait3A] : memref<2x!tpu.dma_semaphore, #tpu.memory_space<semaphore_mem>> -> memref<1x!tpu.dma_semaphore, #tpu.memory_space<semaphore_mem>>
    %dma_wait3A_58 = tpu.memref_squeeze %dma_wait3A_57 : memref<1x!tpu.dma_semaphore, #tpu.memory_space<semaphore_mem>> -> memref<!tpu.dma_semaphore, #tpu.memory_space<semaphore_mem>>
    %dma_wait3A_59 = arith.constant 0 : i32
    %dma_wait3A_60 = arith.constant 0 : i32
    %dma_wait3A_61 = arith.constant 0 : i32
    %dma_wait3A_62 = tpu.memref_slice %arg4[%dma_wait3A_59, %dma_wait3A_60, %dma_wait3A_61] : memref<4096x50x64xf32, #tpu.memory_space<hbm>> -> memref<8x50x64xf32, #tpu.memory_space<hbm>>
    tpu.wait_dma2 semaphore(%dma_wait3A_58 : memref<!tpu.dma_semaphore, #tpu.memory_space<semaphore_mem>>) src(%arg8 : memref<8x50x64xf32, #tpu.memory_space<vmem>>) dst(%dma_wait3A_62 : memref<8x50x64xf32, #tpu.memory_space<hbm>>)
    %dma_wait3A_63 = arith.constant 1 : i32
    %dma_wait3A_64 = arith.constant 0 : i32
    %dma_wait3A_65 = arith.constant 0 : i32
    %dma_wait3A_66 = arith.constant 0 : i32
    %dma_wait3A_67 = tpu.memref_slice %arg4[%dma_wait3A_64, %dma_wait3A_65, %dma_wait3A_66] : memref<4096x50x64xf32, #tpu.memory_space<hbm>> -> memref<8x50x64xf32, #tpu.memory_space<hbm>>
    %dma_wait3A_68 = tpu.memref_slice %arg11[%dma_wait3A_63] : memref<2x!tpu.dma_semaphore, #tpu.memory_space<semaphore_mem>> -> memref<1x!tpu.dma_semaphore, #tpu.memory_space<semaphore_mem>>
    %dma_wait3A_69 = tpu.memref_squeeze %dma_wait3A_68 : memref<1x!tpu.dma_semaphore, #tpu.memory_space<semaphore_mem>> -> memref<!tpu.dma_semaphore, #tpu.memory_space<semaphore_mem>>
    %dma_wait3A_70 = arith.constant 0 : i32
    %dma_wait3A_71 = arith.constant 0 : i32
    %dma_wait3A_72 = arith.constant 0 : i32
    %dma_wait3A_73 = tpu.memref_slice %arg4[%dma_wait3A_70, %dma_wait3A_71, %dma_wait3A_72] : memref<4096x50x64xf32, #tpu.memory_space<hbm>> -> memref<8x50x64xf32, #tpu.memory_space<hbm>>
    tpu.wait_dma2 semaphore(%dma_wait3A_69 : memref<!tpu.dma_semaphore, #tpu.memory_space<semaphore_mem>>) src(%arg9 : memref<8x50x64xf32, #tpu.memory_space<vmem>>) dst(%dma_wait3A_73 : memref<8x50x64xf32, #tpu.memory_space<hbm>>)
    return
  }
}

</mosaic_0001>

<sc_bundles>
// kernel: kernel.3.cloned.1.call-start
scs
__scs_entry_jumppad:
0x0: {  	(pc) =	sbr.rel $0x88, $3  }
0x1: {  	(tag) =	ssettag $0x0;
	lr =	simm.s32 $0x1  }
0x2: {  	[smem:$0x3F9F] =	sst lr;
	_ =	strace $0xD0000000  }
0x3: {  	_ = 	snop  }
0x4: {  	_ = 	snop  }
0x5: {  	_ = 	snop  }
0x6: {  	_ = 	snop  }
0x7: {  	_ = 	snop  }
__scs_overlays_trampoline_lowered:
0x8: {  	[smem:$0x3FAE] =	sst s0  }
0x9: {  	[smem:$0x3FAF] =	sst s1  }
0xa: {  	[smem:$0x3FB0] =	sst s2  }
0xb: {  	[smem:$0x3FB1] =	sst s3  }
0xc: {  	[smem:$0x3FB2] =	sst s4  }
0xd: {  	[smem:$0x3FB3] =	sst s5  }
0xe: {  	[smem:$0x3FB4] =	sst s6  }
0xf: {  	[smem:$0x3FB5] =	sst s7  }
0x10: {  	[smem:$0x3FB6] =	sst s8  }
0x11: {  	[smem:$0x3FB7] =	sst s9;
	s0 =	simm.s32 @!p0 $0x0  }
0x12: {  	s1 =	sld [smem:$0x3F9D];
	s0 =	simm.s32 @p0 $0x1  }
0x13: {  	[smem:$0x3FB8] =	sst s0;
	s0 =	simm.s32 @!p1 $0x0  }
0x14: {  	s2 =	sld [smem:$0x3F9C];
	s0 =	simm.s32 @p1 $0x1  }
0x15: {  	[smem:$0x3FB9] =	sst s0;
	s0 =	simm.s32 @!p2 $0x0  }
0x16: {  	s3 =	sld [smem:$0x3FDB];
	s0 =	simm.s32 @p2 $0x1  }
0x17: {  	s4 =	simm.s32 $0x1BF5;
	[smem:$0x3FBB] =	sst s0  }
0x18: {  	s0 =	sld [smem:$0x3F9E];
	_ =	swait.ge [sflag:s4], $0x0  }
0x19: {  	s7 =	sld [smem:$0x3F9F]  }
0x1a: {  	s8 =	sadd.s32 $0xFFFFE003, lr  }
0x1b: {  	s9 =	sadd.s32 $0xFFFFFEF7, lr;
	s5 =	simm.s32 $0xFFFFFFFF;
	p2 =	slt.u32 s8, $0xFFFFF086  }
0x1c: {  	p1 =	slt.u32 s9, $0xF7A;
	s5 =	simm.s32 @!p2 $0x0  }
0x1d: {  	s5 =	simm.s32 @p1 $0x1;
	p0 =	seq.s32 s7, s2  }
0x1e: {  	s7 =	smul.u32 @!p0 $0xF7A, s2;
	p2 =	seq.s32 @!p0 s5, $0x0  }
0x1f: {  	s9 =	smul.u32 $0xF7A, s1;
	s8 =	simm.s32 @!p0 $0x1BF5;
	p2 =	por !p2, p0  }
0x20: {  	[sflag:s8] =	ssyncset.s32 @!p0 $0xFFFFF086;
	s6 =	sadd.s32 @!p0 s3, s7;
	s7 =	simm.s32 @!p0 $0x108  }
0x21: {  	s3 =	sadd.s32 s3, s9;
	s6 =	sadd.s32 @!p0 $0x88, s6;
	s7 =	simm.s32 @p2 $0x1082  }
0x22: {  	[simem:s7], [sflag:s8] =	dma.local @!p0 [hbm:s6], $0xF7A  }
0x23: {  	s9 =	sor.u32 $0xD0000000, s2;
	s6 =	simm.s32 $0x108;
	_ =	swait.ge @!p0 [sflag:s8], $0x0  }
0x24: {  	s3 =	sadd.s32 $0x88, s3;
	s6 =	simm.s32 @!p1 $0x1082;
	[sflag:s4] =	ssyncset.s32 $0xFFFFF086  }
0x25: {  	[simem:s6], [sflag:s4] =	dma.local [hbm:s3], $0xF7A  }
0x26: {  	[smem:$0x3F9F] =	sst s1;
	(tag) =	ssettag s2;
	_ =	strace s9  }
0x27: {  	s1 =	sld [smem:$0x3FAF]  }
0x28: {  	s2 =	sld [smem:$0x3FB0]  }
0x29: {  	s4 =	sld [smem:$0x3FB2]  }
0x2a: {  	p0 =	seq.s32 s5, $0x0;
	s5 =	sld [smem:$0x3FB3]  }
0x2b: {  	s6 =	sld [smem:$0x3FB4]  }
0x2c: {  	s7 =	sld [smem:$0x3FB5]  }
0x2d: {  	s3 =	simm.s32 $0x108;
	s8 =	sld [smem:$0x3FB6]  }
0x2e: {  	s3 =	simm.s32 @!p0 $0x1082;
	s9 =	sld [smem:$0x3FB7]  }
0x2f: {  	lr =	sadd.s32 s0, s3;
	s0 =	sld [smem:$0x3FAE]  }
0x30: {  	s3 =	sld [smem:$0x3FB1]  }
0x31: {  	[smem:$0x3FBA] =	sst s10  }
0x32: {  	s10 =	sld [smem:$0x3FB8];
	_ =	sdelay $0x3  }
0x33: {  	p0 =	seq.s32 s10, $0x1;
	s10 =	sld [smem:$0x3FBA];
	_ =	sdelay $0x3  }
0x34: {  	[smem:$0x3FBA] =	sst s10  }
0x35: {  	s10 =	sld [smem:$0x3FB9];
	_ =	sdelay $0x3  }
0x36: {  	p1 =	seq.s32 s10, $0x1;
	s10 =	sld [smem:$0x3FBA];
	_ =	sdelay $0x3  }
0x37: {  	[smem:$0x3FBA] =	sst s10  }
0x38: {  	s10 =	sld [smem:$0x3FBB]  }
0x39: {  	_ = 	snop;
	(pc) =	sbr.ind lr, $3  }
0x3a: {  	_ = 	snop  }
0x3b: {  	_ = 	snop  }
0x3c: {  	p2 =	seq.s32 s10, $0x1;
	s10 =	sld [smem:$0x3FBA]  }
0x3d: {  	_ =	shalt  }
0x3e: {  	_ =	shalt  }
0x3f: {  	_ =	shalt  }
0x40: {  	_ =	shalt  }
0x41: {  	_ =	shalt  }
0x42: {  	_ =	shalt  }
0x43: {  	_ =	shalt  }
0x44: {  	_ =	shalt  }
0x45: {  	_ =	shalt  }
0x46: {  	_ =	shalt  }
0x47: {  	_ =	shalt  }
0x48: {  	_ =	shalt  }
0x49: {  	_ =	shalt  }
0x4a: {  	_ =	shalt  }
0x4b: {  	_ =	shalt  }
0x4c: {  	_ =	shalt  }
0x4d: {  	_ =	shalt  }
0x4e: {  	_ =	shalt  }
0x4f: {  	_ =	shalt  }
0x50: {  	_ =	shalt  }
0x51: {  	_ =	shalt  }
0x52: {  	_ =	shalt  }
0x53: {  	_ =	shalt  }
0x54: {  	_ =	shalt  }
0x55: {  	_ =	shalt  }
0x56: {  	_ =	shalt  }
0x57: {  	_ =	shalt  }
0x58: {  	_ =	shalt  }
0x59: {  	_ =	shalt  }
0x5a: {  	_ =	shalt  }
0x5b: {  	_ =	shalt  }
0x5c: {  	_ =	shalt  }
0x5d: {  	_ =	shalt  }
0x5e: {  	_ =	shalt  }
0x5f: {  	_ =	shalt  }
0x60: {  	_ =	shalt  }
0x61: {  	_ =	shalt  }
0x62: {  	_ =	shalt  }
0x63: {  	_ =	shalt  }
0x64: {  	_ =	shalt  }
0x65: {  	_ =	shalt  }
0x66: {  	_ =	shalt  }
0x67: {  	_ =	shalt  }
0x68: {  	_ =	shalt  }
0x69: {  	_ =	shalt  }
0x6a: {  	_ =	shalt  }
0x6b: {  	_ =	shalt  }
0x6c: {  	_ =	shalt  }
0x6d: {  	_ =	shalt  }
0x6e: {  	_ =	shalt  }
0x6f: {  	_ =	shalt  }
0x70: {  	_ =	shalt  }
0x71: {  	_ =	shalt  }
0x72: {  	_ =	shalt  }
0x73: {  	_ =	shalt  }
0x74: {  	_ =	shalt  }
0x75: {  	_ =	shalt  }
0x76: {  	_ =	shalt  }
0x77: {  	_ =	shalt  }
0x78: {  	_ =	shalt  }
0x79: {  	_ =	shalt  }
0x7a: {  	_ =	shalt  }
0x7b: {  	_ =	shalt  }
0x7c: {  	_ =	shalt  }
0x7d: {  	_ =	shalt  }
0x7e: {  	_ =	shalt  }
0x7f: {  	_ =	shalt  }
0x80: {  	_ =	shalt  }
0x81: {  	_ =	shalt  }
0x82: {  	_ =	shalt  }
0x83: {  	_ =	shalt  }
0x84: {  	_ =	shalt  }
0x85: {  	_ =	shalt  }
0x86: {  	_ =	shalt  }
0x87: {  	_ =	shalt  }
.Lfunc_end0:
.L_simem_size_0:
called_computation.1_lowered:
.L_overlay_start_0:
0x88: {  	s2 =	sld [smem:$0x3FD9]  }
0x89: {  	s3 =	sld [smem:$0x3FFE];
	_ =	sdelay $0x1  }
0x8a: {  	s1 =	srdreg.scid  }
0x8b: {  	s0 =	sand.u32 $0x1, s1  }
0x8c: {  	s17 =	sshll.u32 s0, $0xA;
	s2 =	sadd.s32 s3, s2  }
0x8d: {  	s2 =	sadd.s32 s2, s17  }
0x8e: {  	[smem:$0x3FC6] =	sst s2  }
0x8f: {  	_ = 	snop  }
0x90: {  	s2 =	sld [smem:$0x3FD0];
	(tm) =	ssettm $0x1  }
0x91: {  	s18 =	sld [smem:$0x3FFB];
	_ =	sdelay $0x3  }
0x92: {  	_ =	strace s18  }
0x93: {  	s3 =	sld [smem:$0x3FFC];
	_ =	sdelay $0x3  }
0x94: {  	_ =	strace s3  }
0x95: {  	s3 =	sld [smem:$0x3FFD];
	_ =	sdelay $0x3  }
0x96: {  	_ =	strace s3  }
0x97: {  	_ =	strace $0x8FFFFFFF  }
0x98: {  	s19 =	sld [smem:$0x3FDB];
	_ =	sdelay $0x1  }
0x99: {  	s4 =	simm.s32 $_scs_section_size  }
0x9a: {  	s5 =	simm.s32 $_size__tile_overlayer_lowered;
	s6 =	simm.s32 $_tile_overlayer_lowered  }
0x9b: {  	s22 =	simm.s32 $0x1BFF;
	s21 =	sshll.u32 s6, $0x1;
	s3 =	sadd.s32 s4, s19  }
0x9c: {  	s7 =	simm.s32 $0x0;
	s20 =	sshll.u32 s5, $0x1;
	s5 =	sadd.s32 s21, s3  }
0x9d: {  	[timem:s7], [sflag:s22] =	dma.local [hbm:s5], s20  }
0x9e: {  	_ =	swait.ge [sflag:s22], s20  }
0x9f: {  	s4 =	ssub.s32 $0x0, s20;
	[sflag:s22] =	ssyncset.done $0x0  }
0xa0: {  	[sflag:s22] =	ssyncadd.s32 s4;
	_ =	sdelay $0x1  }
0xa1: {  	s23 =	simm.s32 $0x1B8B  }
0xa2: {  	_ =	swait.ge [sflag:s23], $0x1  }
0xa3: {  	[sflag:s23] =	ssyncset.done $0x0  }
0xa4: {  	s25 =	simm.s32 $0x1B8E;
	s24 =	sld [smem:$0x3FFE];
	[sflag:s23] =	ssyncadd.s32 $0xFFFFFFFF  }
0xa5: {  	s26 =	simm.s32 $execute0_lowered;
	[smem:$0x3FD2] =	sst s25  }
0xa6: {  	s5 =	sshll.u32 s26, $0x1;
	_ =	strace $0x80000046;
	[dreg:$0x1] =	wrdreg $0xFFFFFFFF  }
0xa7: {  	s28 =	simm.s32 $_size_execute0_lowered;
	s3 =	sadd.s32 s3, s5;
	[dreg:$0x0] =	wrdreg $0x0  }
0xa8: {  	s5 =	sshll.u32 s28, $0x1;
	[dreg:$0x2] =	wrdreg s3  }
0xa9: {  	[dreg:$0x3] =	wrdreg s5  }
0xaa: {  	[dreg:$0x4] =	wrdreg $0xC0  }
0xab: {  	_ =	task [dreg:s7], $0x5FFFF  }
0xac: {  	[dreg:$0x1] =	wrdreg $0xFFFFFFFF  }
0xad: {  	[dreg:$0x0] =	wrdreg $0x60  }
0xae: {  	[dreg:$0x2] =	wrdreg s24  }
0xaf: {  	[dreg:$0x3] =	wrdreg s2  }
0xb0: {  	[dreg:$0x4] =	wrdreg $0x9  }
0xb1: {  	_ =	task.clear_ibuf [dreg:s7], $0x5FFFF;
	_ =	strace $0x90000046  }
0xb2: {  	s29 =	simm.s32 $0x9;
	_ =	strace $0x80000048  }
0xb3: {  	_ =	swait.ge [sflag:s29], $0x1  }
0xb4: {  	[sflag:s29] =	ssyncadd.s32 $0xFFFFFFFF  }
0xb5: {  	_ =	strace $0x90000048  }
0xb6: {  	_ =	sfence  }
0xb7: {  	s30 =	sld [smem:$0x0];
	_ =	sdelay $0x2  }
0xb8: {  	s31 =	sshll.u32 s1, $0xD;
	s1 =	sshrl.u32 s1, $0x2  }
0xb9: {  	s3 =	sand.u32 $0x4000, s31;
	s1 =	sadd.s32 s1, s30  }
0xba: {  	s0 =	sor.u32 s3, s0;
	s1 =	sshll.u32 s1, $0x11  }
0xbb: {  	s0 =	sor.u32 s1, s0  }
0xbc: {  	s0 =	sadd.s32 $0x8F2B, s0  }
0xbd: {  	[sflag:s0] =	ssyncadd.remote.s32 $0x1  }
0xbe: {  	_ =	sfence.sel $0xFFFF  }
0xbf: {  	[dreg:$0x0] =	wrdreg $0xFFFFFFFF;
	(pc) =	sbr.abs _section_cstart, $3  }
0xc0: {  	[dreg:$0x1] =	wrdreg $0xFFFFFFFF  }
0xc1: {  	_ =	task.clear_ibuf [dreg:s7], $0x2FFFF;
	_ =	strace $0x9FFFFFFF  }
0xc2: {  	(tm) =	ssettm $0x7FFFFFFF  }
0xc3: {  	_ =	shalt  }
tec
execute0_lowered:
.L_overlay_start_1:
0x0: {  	(tag) =	ssettag $0x1  }
0x1: {  	s0 =	rddreg [dreg:$0x0];
	s1 =	srdreg.scid  }
0x2: {  	s3 =	stileid.u32;
	s2 =	rddreg [dreg:$0x1];
	s8 =	simm.s32 $0x5  }
0x3: {  	s9 =	simm.s32 $0x60;
	s11 =	simm.s32 $0x3100;
	s12 =	simm.s32 $0xC0  }
0x4: {  	s13 =	simm.s32 $0x4900;
	s14 =	simm.s32 $0x70;
	s15 =	simm.s32 $0x120  }
0x5: {  	s16 =	simm.s32 $0x6100;
	s17 =	simm.s32 $0x7D00;
	s18 =	simm.s32 $0x9500  }
0x6: {  	s19 =	simm.s32 $0xAD00;
	s20 =	simm.s32 $0xC500;
	s21 =	simm.s32 $0x1  }
0x7: {  	s22 =	simm.s32 $0xE100;
	s23 =	simm.s32 $0x2;
	s24 =	simm.s32 $0x14500  }
0x8: {  	s25 =	simm.s32 $0x3;
	s1 =	sand.u32 $0x1, s1;
	s4 =	sshll.u32 s3, $0x1  }
0x9: {  	s26 =	simm.s32 $0x4;
	s3 =	simm.s32 $0x0;
	s6 =	sor.u32 s1, s4  }
0xa: {  	[smem:$0x7FF] =	sst s3;
	s1 =	ssub.s32 $0x2, s1;
	s4 =	smul.u32 $0x320, s6  }
0xb: {  	s28 =	simm.s32 $0x0;
	_ =	strace $0x80000047;
	s31 =	sshrl.u32 s1, $0x1  }
0xc: {  	s5 =	sadd.s32 s4, s0;
	s4 =	sadd.s32 $0x6C00, s0;
	s0 =	ssub.s32 s1, s31  }
0xd: {  	s6 =	sshll.u32 s6, $0x7;
	s5 =	sadd.s32 $0x800, s5;
	s7 =	smax.u32 s0, $0x1  }
.LBB2_1:
0xe: {  	[tilespmem:s3], [sflag:$0x5] =	stream.linear.gather [hbm4b:s5+s3], $0x1900, $0x38;
	[tilespmem:$0x1A900] =	vst v63  }
0xf: {  	_ =	swait.ge [sflag:s8], $0x1900  }
0x10: {  	[sflag:s8] =	ssyncset.done $0x0  }
0x11: {  	s0 =	simm.s32 $0x1900;
	[sflag:s8] =	ssyncadd.s32 $0xFFFFE700  }
0x12: {  	[tilespmem:s0], [sflag:$0x1] =	stream.indirect.gather [hbm4b:s4+s9], $0x40, s3, s9, $0xb8;
	[tilespmem:$0x1A900] =	vst v63  }
0x13: {  	_ = 	snop  }
0x14: {  	[tilespmem:s11], [sflag:$0x1] =	stream.indirect.gather [hbm4b:s4+s9], $0x40, s9, s9, $0xb8;
	[tilespmem:$0x1A900] =	vst v63  }
0x15: {  	_ = 	snop  }
0x16: {  	[tilespmem:s13], [sflag:$0x1] =	stream.indirect.gather [hbm4b:s4+s9], $0x40, s12, s9, $0xb8;
	[tilespmem:$0x1A900] =	vst v63  }
0x17: {  	s29 =	simm.s32 $0x0  }
0x18: {  	[tilespmem:s16], [sflag:$0x1] =	stream.indirect.gather [hbm4b:s4+s14], $0x40, s15, s14, $0xb8;
	[tilespmem:$0x1A900] =	vst v63  }
.LBB2_2:
0x19: {  	p0 =	seq.s32 s29, $0x0  }
0x1a: {  	s30 =	sshllo.u32 s29, $0x1;
	s0 =	simm.s32 @!p0 $0x4  }
0x1b: {  	s1 =	smul.u32 $0x640, s30;
	_ =	swait.ge @!p0 [sflag:s0], $0x6400  }
0x1c: {  	[sflag:s0] =	ssyncset.done @!p0 $0x0  }
0x1d: {  	[sflag:s0] =	ssyncadd.s32 @!p0 $0xFFFF9C00;
	s0 =	sshra.s32 s1, $0x2  }
0x1e: {  	[tilespmem:s17], [sflag:$0x2] =	stream.indirect.gather [hbm4b:s4+s9], $0x40, s0, s9, $0xb8;
	[tilespmem:$0x1A900] =	vst v63  }
0x1f: {  	s1 =	sadd.s32 $0x60, s0  }
0x20: {  	[tilespmem:s18], [sflag:$0x2] =	stream.indirect.gather [hbm4b:s4+s9], $0x40, s1, s9, $0xb8;
	[tilespmem:$0x1A900] =	vst v63  }
0x21: {  	s10 =	sadd.s32 $0xC0, s0  }
0x22: {  	[tilespmem:s19], [sflag:$0x2] =	stream.indirect.gather [hbm4b:s4+s9], $0x40, s10, s9, $0xb8;
	[tilespmem:$0x1A900] =	vst v63  }
0x23: {  	s0 =	sadd.s32 $0x120, s0  }
0x24: {  	[tilespmem:s20], [sflag:$0x2] =	stream.indirect.gather [hbm4b:s4+s14], $0x40, s0, s14, $0xb8;
	[tilespmem:$0x1A900] =	vst v63  }
0x25: {  	_ =	swait.ge [sflag:s21], $0x1800  }
0x26: {  	[sflag:s21] =	ssyncset.done $0x0  }
0x27: {  	[sflag:s21] =	ssyncadd.s32 $0xFFFFE800  }
0x28: {  	_ =	swait.ge [sflag:s21], $0x1800  }
0x29: {  	[sflag:s21] =	ssyncset.done $0x0  }
0x2a: {  	[sflag:s21] =	ssyncadd.s32 $0xFFFFE800  }
0x2b: {  	_ =	swait.ge [sflag:s21], $0x1800  }
0x2c: {  	[sflag:s21] =	ssyncset.done $0x0  }
0x2d: {  	[sflag:s21] =	ssyncadd.s32 $0xFFFFE800  }
0x2e: {  	_ =	swait.ge [sflag:s21], $0x1C00  }
0x2f: {  	[sflag:s21] =	ssyncset.done $0x0  }
0x30: {  	s31 =	simm.s32 $0x0;
	[sflag:s21] =	ssyncadd.s32 $0xFFFFE400  }
0x31: {  	v0 =	vld [tilespmem:s31+$0x70B0]  }
0x32: {  	v1 =	vld [tilespmem:s31+$0x1900];
	_ =	sdelay $0x1  }
0x33: {  	v2 =	vld [tilespmem:s31+$0x1910]  }
0x34: {  	v3 =	vld [tilespmem:s31+$0x1920]  }
0x35: {  	v4 =	vld [tilespmem:s31+$0x1930];
	v0 =	vmul.f32 $8.000000000e+00, v0  }
0x36: {  	v5 =	vld [tilespmem:s31+$0x2580];
	v1 =	vmul.f32 $8.000000000e+00, v1  }
0x37: {  	v6 =	vld [tilespmem:s31+$0x2590];
	[tilespmem:s31+$0x138B0] =	vst v0  }
0x38: {  	v0 =	vmul.f32 $8.000000000e+00, v2;
	[tilespmem:s31+$0xE100] =	vst v1;
	v1 =	vld [tilespmem:s31+$0x25B0]  }
0x39: {  	v7 =	vld [tilespmem:s31+$0x25A0];
	v2 =	vmul.f32 $8.000000000e+00, v3  }
0x3a: {  	v3 =	vmul.f32 $8.000000000e+00, v4;
	[tilespmem:s31+$0xE110] =	vst v0;
	v0 =	vld [tilespmem:s31+$0x3200]  }
0x3b: {  	v4 =	vmul.f32 $8.000000000e+00, v5;
	[tilespmem:s31+$0xE120] =	vst v2;
	v2 =	vld [tilespmem:s31+$0x3210]  }
0x3c: {  	v5 =	vmul.f32 $8.000000000e+00, v6;
	[tilespmem:s31+$0xE130] =	vst v3;
	v3 =	vld [tilespmem:s31+$0x3220]  }
0x3d: {  	[tilespmem:s31+$0xED80] =	vst v4;
	v4 =	vld [tilespmem:s31+$0x3230];
	v1 =	vmul.f32 $8.000000000e+00, v1  }
0x3e: {  	v6 =	vmul.f32 $8.000000000e+00, v7;
	[tilespmem:s31+$0xED90] =	vst v5;
	v5 =	vld [tilespmem:s31+$0x3E80]  }
0x3f: {  	v0 =	vmul.f32 $8.000000000e+00, v0;
	[tilespmem:s31+$0xEDB0] =	vst v1;
	v1 =	vld [tilespmem:s31+$0x3EA0]  }
0x40: {  	[tilespmem:s31+$0xEDA0] =	vst v6;
	v6 =	vld [tilespmem:s31+$0x3E90];
	v2 =	vmul.f32 $8.000000000e+00, v2  }
0x41: {  	v3 =	vmul.f32 $8.000000000e+00, v3;
	[tilespmem:s31+$0xFA00] =	vst v0;
	v0 =	vld [tilespmem:s31+$0x3EB0]  }
0x42: {  	v4 =	vmul.f32 $8.000000000e+00, v4;
	[tilespmem:s31+$0xFA10] =	vst v2;
	v2 =	vld [tilespmem:s31+$0x4B00]  }
0x43: {  	v5 =	vmul.f32 $8.000000000e+00, v5;
	[tilespmem:s31+$0xFA20] =	vst v3;
	v3 =	vld [tilespmem:s31+$0x4B10]  }
0x44: {  	[tilespmem:s31+$0xFA30] =	vst v4;
	v4 =	vld [tilespmem:s31+$0x4B20];
	v1 =	vmul.f32 $8.000000000e+00, v1  }
0x45: {  	v6 =	vmul.f32 $8.000000000e+00, v6;
	[tilespmem:s31+$0x10680] =	vst v5;
	v5 =	vld [tilespmem:s31+$0x4B30]  }
0x46: {  	v0 =	vmul.f32 $8.000000000e+00, v0;
	[tilespmem:s31+$0x106A0] =	vst v1;
	v1 =	vld [tilespmem:s31+$0x5790]  }
0x47: {  	[tilespmem:s31+$0x10690] =	vst v6;
	v6 =	vld [tilespmem:s31+$0x5780];
	v2 =	vmul.f32 $8.000000000e+00, v2  }
0x48: {  	[tilespmem:s31+$0x106B0] =	vst v0;
	v0 =	vmul.f32 $8.000000000e+00, v3;
	v3 =	vld [tilespmem:s31+$0x57B0]  }
0x49: {  	v7 =	vld [tilespmem:s31+$0x57A0];
	[tilespmem:s31+$0x11300] =	vst v2;
	v2 =	vmul.f32 $8.000000000e+00, v4  }
0x4a: {  	v4 =	vld [tilespmem:s31+$0x6400];
	[tilespmem:s31+$0x11310] =	vst v0;
	v0 =	vmul.f32 $8.000000000e+00, v5  }
0x4b: {  	v8 =	vld [tilespmem:s31+$0x6410];
	[tilespmem:s31+$0x11320] =	vst v2;
	v5 =	vmul.f32 $8.000000000e+00, v1  }
0x4c: {  	v2 =	vmul.f32 $8.000000000e+00, v6;
	[tilespmem:s31+$0x11330] =	vst v0;
	v0 =	vld [tilespmem:s31+$0x6420]  }
0x4d: {  	v1 =	vld [tilespmem:s31+$0x6430];
	[tilespmem:s31+$0x11F90] =	vst v5;
	v5 =	vmul.f32 $8.000000000e+00, v3  }
0x4e: {  	v6 =	vmul.f32 $8.000000000e+00, v7;
	[tilespmem:s31+$0x11F80] =	vst v2;
	v2 =	vld [tilespmem:s31+$0x7080]  }
0x4f: {  	v3 =	vld [tilespmem:s31+$0x7090];
	[tilespmem:s31+$0x11FB0] =	vst v5;
	v5 =	vmul.f32 $8.000000000e+00, v4  }
0x50: {  	s1 =	simm.s32 $0x40;
	s0 =	simm.s32 $0x200;
	[tilespmem:s31+$0x11FA0] =	vst v6;
	v6 =	vmul.f32 $8.000000000e+00, v8;
	v4 =	vld [tilespmem:s31+$0x70A0]  }
.LBB2_3:
0x51: {  	p0 =	sne.s32 s0, $0x3100;
	v7 =	vld [tilespmem:s1+$0x70B0];
	[tilespmem:s31+$0x12C00] =	vst v5;
	v0 =	vmul.f32 $8.000000000e+00, v0  }
0x52: {  	v5 =	vld [tilespmem:s1+$0x1900];
	[tilespmem:s31+$0x12C10] =	vst v6;
	v1 =	vmul.f32 $8.000000000e+00, v1  }
0x53: {  	v6 =	vld [tilespmem:s1+$0x1910];
	[tilespmem:s31+$0x12C20] =	vst v0;
	v0 =	vmul.f32 $8.000000000e+00, v2  }
0x54: {  	v2 =	vld [tilespmem:s1+$0x1920];
	[tilespmem:s31+$0x12C30] =	vst v1;
	v1 =	vmul.f32 $8.000000000e+00, v3  }
0x55: {  	v3 =	vld [tilespmem:s1+$0x1930];
	[tilespmem:s31+$0x13880] =	vst v0;
	v0 =	vmul.f32 $8.000000000e+00, v4  }
0x56: {  	v4 =	vld [tilespmem:s1+$0x2580];
	v7 =	vmul.f32 $8.000000000e+00, v7;
	[tilespmem:s31+$0x13890] =	vst v1  }
0x57: {  	v1 =	vmul.f32 $8.000000000e+00, v5;
	v5 =	vld [tilespmem:s1+$0x2590];
	[tilespmem:s31+$0x138A0] =	vst v0;
	s31 =	smov.u32 s1  }
0x58: {  	v0 =	vmul.f32 $8.000000000e+00, v6;
	v6 =	vld [tilespmem:s31+$0x25A0];
	[tilespmem:s31+$0x138B0] =	vst v7  }
0x59: {  	[tilespmem:s31+$0xE100] =	vst v1;
	v1 =	vmul.f32 $8.000000000e+00, v2;
	v2 =	vld [tilespmem:s31+$0x25B0]  }
0x5a: {  	[tilespmem:s31+$0xE110] =	vst v0;
	v0 =	vmul.f32 $8.000000000e+00, v3;
	v3 =	vld [tilespmem:s31+$0x3200]  }
0x5b: {  	[tilespmem:s31+$0xE120] =	vst v1;
	v1 =	vmul.f32 $8.000000000e+00, v4;
	v4 =	vld [tilespmem:s31+$0x3210]  }
0x5c: {  	[tilespmem:s31+$0xE130] =	vst v0;
	v0 =	vmul.f32 $8.000000000e+00, v5;
	v5 =	vld [tilespmem:s31+$0x3220]  }
0x5d: {  	[tilespmem:s31+$0xED80] =	vst v1;
	v1 =	vmul.f32 $8.000000000e+00, v6;
	v6 =	vld [tilespmem:s31+$0x3230]  }
0x5e: {  	[tilespmem:s31+$0xED90] =	vst v0;
	v0 =	vmul.f32 $8.000000000e+00, v2;
	v2 =	vld [tilespmem:s31+$0x3E80]  }
0x5f: {  	[tilespmem:s31+$0xEDA0] =	vst v1;
	v1 =	vmul.f32 $8.000000000e+00, v3;
	v3 =	vld [tilespmem:s31+$0x3E90]  }
0x60: {  	[tilespmem:s31+$0xEDB0] =	vst v0;
	v0 =	vmul.f32 $8.000000000e+00, v4;
	v4 =	vld [tilespmem:s31+$0x3EA0]  }
0x61: {  	[tilespmem:s31+$0xFA00] =	vst v1;
	v1 =	vmul.f32 $8.000000000e+00, v5;
	v5 =	vld [tilespmem:s31+$0x3EB0]  }
0x62: {  	[tilespmem:s31+$0xFA10] =	vst v0;
	v0 =	vmul.f32 $8.000000000e+00, v6;
	v6 =	vld [tilespmem:s31+$0x4B00]  }
0x63: {  	[tilespmem:s31+$0xFA20] =	vst v1;
	v1 =	vmul.f32 $8.000000000e+00, v2;
	v2 =	vld [tilespmem:s31+$0x4B10]  }
0x64: {  	[tilespmem:s31+$0xFA30] =	vst v0;
	v0 =	vmul.f32 $8.000000000e+00, v3;
	v3 =	vld [tilespmem:s31+$0x4B20]  }
0x65: {  	[tilespmem:s31+$0x10680] =	vst v1;
	v1 =	vmul.f32 $8.000000000e+00, v4;
	v4 =	vld [tilespmem:s31+$0x4B30]  }
0x66: {  	[tilespmem:s31+$0x10690] =	vst v0;
	v0 =	vmul.f32 $8.000000000e+00, v5;
	v5 =	vld [tilespmem:s31+$0x5780]  }
0x67: {  	[tilespmem:s31+$0x106A0] =	vst v1;
	v1 =	vmul.f32 $8.000000000e+00, v6;
	v6 =	vld [tilespmem:s31+$0x5790]  }
0x68: {  	[tilespmem:s31+$0x106B0] =	vst v0;
	v0 =	vmul.f32 $8.000000000e+00, v2;
	v2 =	vld [tilespmem:s31+$0x57A0]  }
0x69: {  	[tilespmem:s31+$0x11300] =	vst v1;
	v1 =	vmul.f32 $8.000000000e+00, v3;
	v3 =	vld [tilespmem:s31+$0x57B0]  }
0x6a: {  	[tilespmem:s31+$0x11310] =	vst v0;
	v0 =	vmul.f32 $8.000000000e+00, v4;
	v4 =	vld [tilespmem:s31+$0x6400]  }
0x6b: {  	[tilespmem:s31+$0x11320] =	vst v1;
	v1 =	vmul.f32 $8.000000000e+00, v5;
	v7 =	vld [tilespmem:s31+$0x6410]  }
.Ltmp0:
0x6c: {  	[tilespmem:s31+$0x11330] =	vst v0;
	v5 =	vmul.f32 $8.000000000e+00, v6;
	v0 =	vld [tilespmem:s31+$0x6420];
	(pc) =	sbr.rel @p0 .LBB2_3-.Ltmp0, $4  }
0x6d: {  	[tilespmem:s31+$0x11F80] =	vst v1;
	v6 =	vmul.f32 $8.000000000e+00, v2;
	v1 =	vld [tilespmem:s31+$0x6430]  }
0x6e: {  	[tilespmem:s31+$0x11F90] =	vst v5;
	v8 =	vmul.f32 $8.000000000e+00, v3;
	v2 =	vld [tilespmem:s31+$0x7080]  }
0x6f: {  	[tilespmem:s31+$0x11FA0] =	vst v6;
	v5 =	vmul.f32 $8.000000000e+00, v4;
	v3 =	vld [tilespmem:s31+$0x7090]  }
0x70: {  	s1 =	sshra.s32 s0, $0x2;
	s0 =	sadd.s32 $0x100, s0;
	[tilespmem:s31+$0x11FB0] =	vst v8;
	v6 =	vmul.f32 $8.000000000e+00, v7;
	v4 =	vld [tilespmem:s31+$0x70A0]  }
0x71: {  	v7 =	vld [tilespmem:s1+$0x70B0];
	[tilespmem:s31+$0x12C00] =	vst v5;
	v0 =	vmul.f32 $8.000000000e+00, v0  }
0x72: {  	v5 =	vld [tilespmem:s1+$0x1900];
	[tilespmem:s31+$0x12C10] =	vst v6;
	v1 =	vmul.f32 $8.000000000e+00, v1  }
0x73: {  	v6 =	vld [tilespmem:s1+$0x1910];
	[tilespmem:s31+$0x12C20] =	vst v0;
	v2 =	vmul.f32 $8.000000000e+00, v2  }
0x74: {  	v0 =	vld [tilespmem:s1+$0x1920];
	[tilespmem:s31+$0x12C30] =	vst v1;
	v3 =	vmul.f32 $8.000000000e+00, v3  }
0x75: {  	v1 =	vld [tilespmem:s1+$0x1930];
	[tilespmem:s31+$0x13880] =	vst v2;
	v4 =	vmul.f32 $8.000000000e+00, v4  }
0x76: {  	v2 =	vld [tilespmem:s1+$0x2580];
	[tilespmem:s31+$0x13890] =	vst v3;
	v7 =	vmul.f32 $8.000000000e+00, v7  }
0x77: {  	v3 =	vld [tilespmem:s1+$0x2590];
	[tilespmem:s31+$0x138A0] =	vst v4;
	v4 =	vmul.f32 $8.000000000e+00, v5  }
0x78: {  	v5 =	vld [tilespmem:s1+$0x25A0];
	[tilespmem:s1+$0x138B0] =	vst v7;
	v6 =	vmul.f32 $8.000000000e+00, v6  }
0x79: {  	[tilespmem:s1+$0xE100] =	vst v4;
	v4 =	vld [tilespmem:s1+$0x25B0];
	v0 =	vmul.f32 $8.000000000e+00, v0  }
0x7a: {  	[tilespmem:s1+$0xE110] =	vst v6;
	v6 =	vld [tilespmem:s1+$0x3200];
	v1 =	vmul.f32 $8.000000000e+00, v1  }
0x7b: {  	[tilespmem:s1+$0xE120] =	vst v0;
	v0 =	vld [tilespmem:s1+$0x3210];
	v2 =	vmul.f32 $8.000000000e+00, v2  }
0x7c: {  	[tilespmem:s1+$0xE130] =	vst v1;
	v1 =	vld [tilespmem:s1+$0x3220];
	v3 =	vmul.f32 $8.000000000e+00, v3  }
0x7d: {  	[tilespmem:s1+$0xED80] =	vst v2;
	v2 =	vld [tilespmem:s1+$0x3230];
	v5 =	vmul.f32 $8.000000000e+00, v5  }
0x7e: {  	[tilespmem:s1+$0xED90] =	vst v3;
	v3 =	vld [tilespmem:s1+$0x3E80];
	v4 =	vmul.f32 $8.000000000e+00, v4  }
0x7f: {  	[tilespmem:s1+$0xEDA0] =	vst v5;
	v5 =	vld [tilespmem:s1+$0x3E90];
	v6 =	vmul.f32 $8.000000000e+00, v6  }
0x80: {  	[tilespmem:s1+$0xEDB0] =	vst v4;
	v4 =	vld [tilespmem:s1+$0x3EA0];
	v0 =	vmul.f32 $8.000000000e+00, v0  }
0x81: {  	[tilespmem:s1+$0xFA00] =	vst v6;
	v6 =	vld [tilespmem:s1+$0x3EB0];
	v1 =	vmul.f32 $8.000000000e+00, v1  }
0x82: {  	[tilespmem:s1+$0xFA10] =	vst v0;
	v0 =	vld [tilespmem:s1+$0x4B00];
	v2 =	vmul.f32 $8.000000000e+00, v2  }
0x83: {  	[tilespmem:s1+$0xFA20] =	vst v1;
	v1 =	vld [tilespmem:s1+$0x4B10];
	v3 =	vmul.f32 $8.000000000e+00, v3  }
0x84: {  	[tilespmem:s1+$0xFA30] =	vst v2;
	v2 =	vld [tilespmem:s1+$0x4B20];
	v5 =	vmul.f32 $8.000000000e+00, v5  }
0x85: {  	[tilespmem:s1+$0x10680] =	vst v3;
	v3 =	vld [tilespmem:s1+$0x4B30];
	v4 =	vmul.f32 $8.000000000e+00, v4  }
0x86: {  	[tilespmem:s1+$0x10690] =	vst v5;
	v5 =	vld [tilespmem:s1+$0x5780];
	v6 =	vmul.f32 $8.000000000e+00, v6  }
0x87: {  	[tilespmem:s1+$0x106A0] =	vst v4;
	v4 =	vld [tilespmem:s1+$0x5790];
	v0 =	vmul.f32 $8.000000000e+00, v0  }
0x88: {  	[tilespmem:s1+$0x106B0] =	vst v6;
	v6 =	vld [tilespmem:s1+$0x57A0];
	v1 =	vmul.f32 $8.000000000e+00, v1  }
0x89: {  	[tilespmem:s1+$0x11300] =	vst v0;
	v0 =	vld [tilespmem:s1+$0x57B0];
	v2 =	vmul.f32 $8.000000000e+00, v2  }
0x8a: {  	[tilespmem:s1+$0x11310] =	vst v1;
	v1 =	vld [tilespmem:s1+$0x6400];
	v3 =	vmul.f32 $8.000000000e+00, v3  }
0x8b: {  	[tilespmem:s1+$0x11320] =	vst v2;
	v2 =	vld [tilespmem:s1+$0x6410];
	v5 =	vmul.f32 $8.000000000e+00, v5  }
0x8c: {  	[tilespmem:s1+$0x11330] =	vst v3;
	v3 =	vld [tilespmem:s1+$0x6420];
	v4 =	vmul.f32 $8.000000000e+00, v4  }
0x8d: {  	[tilespmem:s1+$0x11F80] =	vst v5;
	v5 =	vld [tilespmem:s1+$0x6430];
	v6 =	vmul.f32 $8.000000000e+00, v6  }
0x8e: {  	[tilespmem:s1+$0x11F90] =	vst v4;
	v4 =	vld [tilespmem:s1+$0x7080];
	v0 =	vmul.f32 $8.000000000e+00, v0  }
0x8f: {  	[tilespmem:s1+$0x11FA0] =	vst v6;
	v6 =	vld [tilespmem:s1+$0x7090];
	v1 =	vmul.f32 $8.000000000e+00, v1  }
0x90: {  	[tilespmem:s1+$0x11FB0] =	vst v0;
	v0 =	vmul.f32 $8.000000000e+00, v2;
	v2 =	vld [tilespmem:s1+$0x70A0]  }
0x91: {  	[tilespmem:s1+$0x12C00] =	vst v1;
	v1 =	vmul.f32 $8.000000000e+00, v3  }
0x92: {  	[tilespmem:s1+$0x12C10] =	vst v0;
	v0 =	vmul.f32 $8.000000000e+00, v5  }
0x93: {  	s0 =	sshll.u32 s29, $0x4;
	[tilespmem:s1+$0x12C20] =	vst v1;
	v1 =	vmul.f32 $8.000000000e+00, v4  }
0x94: {  	s0 =	sadd.s32 s6, s0;
	[tilespmem:s1+$0x12C30] =	vst v0;
	v0 =	vmul.f32 $8.000000000e+00, v6  }
0x95: {  	s0 =	smul.u32 $0x190, s0;
	[tilespmem:s1+$0x13880] =	vst v1;
	v1 =	vmul.f32 $8.000000000e+00, v2  }
0x96: {  	[tilespmem:s1+$0x13890] =	vst v0  }
0x97: {  	p0 =	seq.s32 s29, $0x7;
	s0 =	sadd.s32 s2, s0;
	[tilespmem:s1+$0x138A0] =	vst v1  }
0x98: {  	[hbm4b:s0+s3] =	stream.linear.scatter [tilespmem:s22], [sflag:$0x3], $0x6400, $0x38;
	[tilespmem:$0x1A900] =	vst v63  }
0x99: {  	s0 =	simm.s32 @!p0 $0x3  }
0x9a: {  	s1 =	smul.u32 @!p0 $0xC80, s29;
	_ =	swait.ge @!p0 [sflag:s0], $0x6400  }
0x9b: {  	[sflag:s0] =	ssyncset.done @!p0 $0x0  }
0x9c: {  	[sflag:s0] =	ssyncadd.s32 @!p0 $0xFFFF9C00;
	s0 =	sshra.s32 @!p0 s1, $0x2  }
0x9d: {  	s10 =	simm.s32 @!p0 $0x1900;
	s31 =	simm.s32 @!p0 $0x60;
	s1 =	sadd.s32 @!p0 $0x320, s0  }
0x9e: {  	[tilespmem:s10], [sflag:$0x1] =	stream.indirect.gather @!p0 [hbm4b:s4+s31], $0x40, s1, s31, $0xb8;
	[tilespmem:$0x1A900] =	vst v63  }
0x9f: {  	s1 =	sadd.s32 @!p0 $0x380, s0;
	s10 =	simm.s32 @!p0 $0x3100  }
0xa0: {  	[tilespmem:s10], [sflag:$0x1] =	stream.indirect.gather @!p0 [hbm4b:s4+s31], $0x40, s1, s31, $0xb8;
	[tilespmem:$0x1A900] =	vst v63  }
0xa1: {  	s1 =	sadd.s32 @!p0 $0x3E0, s0;
	s10 =	simm.s32 @!p0 $0x4900  }
0xa2: {  	[tilespmem:s10], [sflag:$0x1] =	stream.indirect.gather @!p0 [hbm4b:s4+s31], $0x40, s1, s31, $0xb8;
	[tilespmem:$0x1A900] =	vst v63  }
0xa3: {  	s0 =	sadd.s32 @!p0 $0x440, s0;
	s1 =	simm.s32 @!p0 $0x70;
	s10 =	simm.s32 @!p0 $0x6100  }
0xa4: {  	[tilespmem:s10], [sflag:$0x1] =	stream.indirect.gather @!p0 [hbm4b:s4+s1], $0x40, s0, s1, $0xb8;
	[tilespmem:$0x1A900] =	vst v63  }
0xa5: {  	_ =	swait.ge [sflag:s23], $0x1800  }
0xa6: {  	[sflag:s23] =	ssyncset.done $0x0  }
0xa7: {  	[sflag:s23] =	ssyncadd.s32 $0xFFFFE800  }
0xa8: {  	_ =	swait.ge [sflag:s23], $0x1800  }
0xa9: {  	[sflag:s23] =	ssyncset.done $0x0  }
0xaa: {  	[sflag:s23] =	ssyncadd.s32 $0xFFFFE800  }
0xab: {  	_ =	swait.ge [sflag:s23], $0x1800  }
0xac: {  	[sflag:s23] =	ssyncset.done $0x0  }
0xad: {  	[sflag:s23] =	ssyncadd.s32 $0xFFFFE800  }
0xae: {  	_ =	swait.ge [sflag:s23], $0x1C00  }
0xaf: {  	[sflag:s23] =	ssyncset.done $0x0  }
0xb0: {  	s31 =	simm.s32 $0x0;
	[sflag:s23] =	ssyncadd.s32 $0xFFFFE400  }
0xb1: {  	v0 =	vld [tilespmem:s31+$0xD4B0]  }
0xb2: {  	v1 =	vld [tilespmem:s31+$0x7D00];
	_ =	sdelay $0x1  }
0xb3: {  	v2 =	vld [tilespmem:s31+$0x7D10]  }
0xb4: {  	v3 =	vld [tilespmem:s31+$0x7D20]  }
0xb5: {  	v4 =	vld [tilespmem:s31+$0x7D30];
	v0 =	vmul.f32 $8.000000000e+00, v0  }
0xb6: {  	v5 =	vld [tilespmem:s31+$0x8980];
	v1 =	vmul.f32 $8.000000000e+00, v1  }
0xb7: {  	v6 =	vld [tilespmem:s31+$0x8990];
	[tilespmem:s31+$0x19CB0] =	vst v0  }
0xb8: {  	v0 =	vmul.f32 $8.000000000e+00, v2;
	[tilespmem:s31+$0x14500] =	vst v1;
	v1 =	vld [tilespmem:s31+$0x89B0]  }
0xb9: {  	v7 =	vld [tilespmem:s31+$0x89A0];
	v2 =	vmul.f32 $8.000000000e+00, v3  }
0xba: {  	v3 =	vmul.f32 $8.000000000e+00, v4;
	[tilespmem:s31+$0x14510] =	vst v0;
	v0 =	vld [tilespmem:s31+$0x9600]  }
0xbb: {  	v4 =	vmul.f32 $8.000000000e+00, v5;
	[tilespmem:s31+$0x14520] =	vst v2;
	v2 =	vld [tilespmem:s31+$0x9610]  }
0xbc: {  	v5 =	vmul.f32 $8.000000000e+00, v6;
	[tilespmem:s31+$0x14530] =	vst v3;
	v3 =	vld [tilespmem:s31+$0x9620]  }
0xbd: {  	[tilespmem:s31+$0x15180] =	vst v4;
	v4 =	vld [tilespmem:s31+$0x9630];
	v1 =	vmul.f32 $8.000000000e+00, v1  }
0xbe: {  	v6 =	vmul.f32 $8.000000000e+00, v7;
	[tilespmem:s31+$0x15190] =	vst v5;
	v5 =	vld [tilespmem:s31+$0xA280]  }
0xbf: {  	v0 =	vmul.f32 $8.000000000e+00, v0;
	[tilespmem:s31+$0x151B0] =	vst v1;
	v1 =	vld [tilespmem:s31+$0xA2A0]  }
0xc0: {  	[tilespmem:s31+$0x151A0] =	vst v6;
	v6 =	vld [tilespmem:s31+$0xA290];
	v2 =	vmul.f32 $8.000000000e+00, v2  }
0xc1: {  	v3 =	vmul.f32 $8.000000000e+00, v3;
	[tilespmem:s31+$0x15E00] =	vst v0;
	v0 =	vld [tilespmem:s31+$0xA2B0]  }
0xc2: {  	v4 =	vmul.f32 $8.000000000e+00, v4;
	[tilespmem:s31+$0x15E10] =	vst v2;
	v2 =	vld [tilespmem:s31+$0xAF00]  }
0xc3: {  	v5 =	vmul.f32 $8.000000000e+00, v5;
	[tilespmem:s31+$0x15E20] =	vst v3;
	v3 =	vld [tilespmem:s31+$0xAF10]  }
0xc4: {  	[tilespmem:s31+$0x15E30] =	vst v4;
	v4 =	vld [tilespmem:s31+$0xAF20];
	v1 =	vmul.f32 $8.000000000e+00, v1  }
0xc5: {  	v6 =	vmul.f32 $8.000000000e+00, v6;
	[tilespmem:s31+$0x16A80] =	vst v5;
	v5 =	vld [tilespmem:s31+$0xAF30]  }
0xc6: {  	v0 =	vmul.f32 $8.000000000e+00, v0;
	[tilespmem:s31+$0x16AA0] =	vst v1;
	v1 =	vld [tilespmem:s31+$0xBB90]  }
0xc7: {  	[tilespmem:s31+$0x16A90] =	vst v6;
	v6 =	vld [tilespmem:s31+$0xBB80];
	v2 =	vmul.f32 $8.000000000e+00, v2  }
0xc8: {  	[tilespmem:s31+$0x16AB0] =	vst v0;
	v0 =	vmul.f32 $8.000000000e+00, v3;
	v3 =	vld [tilespmem:s31+$0xBBB0]  }
0xc9: {  	v7 =	vld [tilespmem:s31+$0xBBA0];
	[tilespmem:s31+$0x17700] =	vst v2;
	v2 =	vmul.f32 $8.000000000e+00, v4  }
0xca: {  	v4 =	vld [tilespmem:s31+$0xC800];
	[tilespmem:s31+$0x17710] =	vst v0;
	v0 =	vmul.f32 $8.000000000e+00, v5  }
0xcb: {  	v8 =	vld [tilespmem:s31+$0xC810];
	[tilespmem:s31+$0x17720] =	vst v2;
	v5 =	vmul.f32 $8.000000000e+00, v1  }
0xcc: {  	v2 =	vmul.f32 $8.000000000e+00, v6;
	[tilespmem:s31+$0x17730] =	vst v0;
	v0 =	vld [tilespmem:s31+$0xC820]  }
0xcd: {  	v1 =	vld [tilespmem:s31+$0xC830];
	[tilespmem:s31+$0x18390] =	vst v5;
	v5 =	vmul.f32 $8.000000000e+00, v3  }
0xce: {  	v6 =	vmul.f32 $8.000000000e+00, v7;
	[tilespmem:s31+$0x18380] =	vst v2;
	v2 =	vld [tilespmem:s31+$0xD480]  }
0xcf: {  	v3 =	vld [tilespmem:s31+$0xD490];
	[tilespmem:s31+$0x183B0] =	vst v5;
	v5 =	vmul.f32 $8.000000000e+00, v4  }
0xd0: {  	s1 =	simm.s32 $0x40;
	s0 =	simm.s32 $0x200;
	[tilespmem:s31+$0x183A0] =	vst v6;
	v6 =	vmul.f32 $8.000000000e+00, v8;
	v4 =	vld [tilespmem:s31+$0xD4A0]  }
.LBB2_5:
0xd1: {  	p0 =	sne.s32 s0, $0x3100;
	v7 =	vld [tilespmem:s1+$0xD4B0];
	[tilespmem:s31+$0x19000] =	vst v5;
	v0 =	vmul.f32 $8.000000000e+00, v0  }
0xd2: {  	v5 =	vld [tilespmem:s1+$0x7D00];
	[tilespmem:s31+$0x19010] =	vst v6;
	v1 =	vmul.f32 $8.000000000e+00, v1  }
0xd3: {  	v6 =	vld [tilespmem:s1+$0x7D10];
	[tilespmem:s31+$0x19020] =	vst v0;
	v0 =	vmul.f32 $8.000000000e+00, v2  }
0xd4: {  	v2 =	vld [tilespmem:s1+$0x7D20];
	[tilespmem:s31+$0x19030] =	vst v1;
	v1 =	vmul.f32 $8.000000000e+00, v3  }
0xd5: {  	v3 =	vld [tilespmem:s1+$0x7D30];
	[tilespmem:s31+$0x19C80] =	vst v0;
	v0 =	vmul.f32 $8.000000000e+00, v4  }
0xd6: {  	v4 =	vld [tilespmem:s1+$0x8980];
	v7 =	vmul.f32 $8.000000000e+00, v7;
	[tilespmem:s31+$0x19C90] =	vst v1  }
0xd7: {  	v1 =	vmul.f32 $8.000000000e+00, v5;
	v5 =	vld [tilespmem:s1+$0x8990];
	[tilespmem:s31+$0x19CA0] =	vst v0;
	s31 =	smov.u32 s1  }
0xd8: {  	v0 =	vmul.f32 $8.000000000e+00, v6;
	v6 =	vld [tilespmem:s31+$0x89A0];
	[tilespmem:s31+$0x19CB0] =	vst v7  }
0xd9: {  	[tilespmem:s31+$0x14500] =	vst v1;
	v1 =	vmul.f32 $8.000000000e+00, v2;
	v2 =	vld [tilespmem:s31+$0x89B0]  }
0xda: {  	[tilespmem:s31+$0x14510] =	vst v0;
	v0 =	vmul.f32 $8.000000000e+00, v3;
	v3 =	vld [tilespmem:s31+$0x9600]  }
0xdb: {  	[tilespmem:s31+$0x14520] =	vst v1;
	v1 =	vmul.f32 $8.000000000e+00, v4;
	v4 =	vld [tilespmem:s31+$0x9610]  }
0xdc: {  	[tilespmem:s31+$0x14530] =	vst v0;
	v0 =	vmul.f32 $8.000000000e+00, v5;
	v5 =	vld [tilespmem:s31+$0x9620]  }
0xdd: {  	[tilespmem:s31+$0x15180] =	vst v1;
	v1 =	vmul.f32 $8.000000000e+00, v6;
	v6 =	vld [tilespmem:s31+$0x9630]  }
0xde: {  	[tilespmem:s31+$0x15190] =	vst v0;
	v0 =	vmul.f32 $8.000000000e+00, v2;
	v2 =	vld [tilespmem:s31+$0xA280]  }
0xdf: {  	[tilespmem:s31+$0x151A0] =	vst v1;
	v1 =	vmul.f32 $8.000000000e+00, v3;
	v3 =	vld [tilespmem:s31+$0xA290]  }
0xe0: {  	[tilespmem:s31+$0x151B0] =	vst v0;
	v0 =	vmul.f32 $8.000000000e+00, v4;
	v4 =	vld [tilespmem:s31+$0xA2A0]  }
0xe1: {  	[tilespmem:s31+$0x15E00] =	vst v1;
	v1 =	vmul.f32 $8.000000000e+00, v5;
	v5 =	vld [tilespmem:s31+$0xA2B0]  }
0xe2: {  	[tilespmem:s31+$0x15E10] =	vst v0;
	v0 =	vmul.f32 $8.000000000e+00, v6;
	v6 =	vld [tilespmem:s31+$0xAF00]  }
0xe3: {  	[tilespmem:s31+$0x15E20] =	vst v1;
	v1 =	vmul.f32 $8.000000000e+00, v2;
	v2 =	vld [tilespmem:s31+$0xAF10]  }
0xe4: {  	[tilespmem:s31+$0x15E30] =	vst v0;
	v0 =	vmul.f32 $8.000000000e+00, v3;
	v3 =	vld [tilespmem:s31+$0xAF20]  }
0xe5: {  	[tilespmem:s31+$0x16A80] =	vst v1;
	v1 =	vmul.f32 $8.000000000e+00, v4;
	v4 =	vld [tilespmem:s31+$0xAF30]  }
0xe6: {  	[tilespmem:s31+$0x16A90] =	vst v0;
	v0 =	vmul.f32 $8.000000000e+00, v5;
	v5 =	vld [tilespmem:s31+$0xBB80]  }
0xe7: {  	[tilespmem:s31+$0x16AA0] =	vst v1;
	v1 =	vmul.f32 $8.000000000e+00, v6;
	v6 =	vld [tilespmem:s31+$0xBB90]  }
0xe8: {  	[tilespmem:s31+$0x16AB0] =	vst v0;
	v0 =	vmul.f32 $8.000000000e+00, v2;
	v2 =	vld [tilespmem:s31+$0xBBA0]  }
0xe9: {  	[tilespmem:s31+$0x17700] =	vst v1;
	v1 =	vmul.f32 $8.000000000e+00, v3;
	v3 =	vld [tilespmem:s31+$0xBBB0]  }
0xea: {  	[tilespmem:s31+$0x17710] =	vst v0;
	v0 =	vmul.f32 $8.000000000e+00, v4;
	v4 =	vld [tilespmem:s31+$0xC800]  }
0xeb: {  	[tilespmem:s31+$0x17720] =	vst v1;
	v1 =	vmul.f32 $8.000000000e+00, v5;
	v7 =	vld [tilespmem:s31+$0xC810]  }
.Ltmp1:
0xec: {  	[tilespmem:s31+$0x17730] =	vst v0;
	v5 =	vmul.f32 $8.000000000e+00, v6;
	v0 =	vld [tilespmem:s31+$0xC820];
	(pc) =	sbr.rel @p0 .LBB2_5-.Ltmp1, $4  }
0xed: {  	[tilespmem:s31+$0x18380] =	vst v1;
	v6 =	vmul.f32 $8.000000000e+00, v2;
	v1 =	vld [tilespmem:s31+$0xC830]  }
0xee: {  	[tilespmem:s31+$0x18390] =	vst v5;
	v8 =	vmul.f32 $8.000000000e+00, v3;
	v2 =	vld [tilespmem:s31+$0xD480]  }
0xef: {  	[tilespmem:s31+$0x183A0] =	vst v6;
	v5 =	vmul.f32 $8.000000000e+00, v4;
	v3 =	vld [tilespmem:s31+$0xD490]  }
0xf0: {  	s1 =	sshra.s32 s0, $0x2;
	s0 =	sadd.s32 $0x100, s0;
	[tilespmem:s31+$0x183B0] =	vst v8;
	v6 =	vmul.f32 $8.000000000e+00, v7;
	v4 =	vld [tilespmem:s31+$0xD4A0]  }
0xf1: {  	v7 =	vld [tilespmem:s1+$0xD4B0];
	[tilespmem:s31+$0x19000] =	vst v5;
	v0 =	vmul.f32 $8.000000000e+00, v0  }
0xf2: {  	v5 =	vld [tilespmem:s1+$0x7D00];
	[tilespmem:s31+$0x19010] =	vst v6;
	v1 =	vmul.f32 $8.000000000e+00, v1  }
0xf3: {  	v6 =	vld [tilespmem:s1+$0x7D10];
	[tilespmem:s31+$0x19020] =	vst v0;
	v2 =	vmul.f32 $8.000000000e+00, v2  }
0xf4: {  	v0 =	vld [tilespmem:s1+$0x7D20];
	[tilespmem:s31+$0x19030] =	vst v1;
	v3 =	vmul.f32 $8.000000000e+00, v3  }
0xf5: {  	v1 =	vld [tilespmem:s1+$0x7D30];
	[tilespmem:s31+$0x19C80] =	vst v2;
	v4 =	vmul.f32 $8.000000000e+00, v4  }
0xf6: {  	v2 =	vld [tilespmem:s1+$0x8980];
	[tilespmem:s31+$0x19C90] =	vst v3;
	v7 =	vmul.f32 $8.000000000e+00, v7  }
0xf7: {  	v3 =	vld [tilespmem:s1+$0x8990];
	[tilespmem:s31+$0x19CA0] =	vst v4;
	v32 =	vmul.f32 $8.000000000e+00, v5  }
0xf8: {  	v33 =	vld [tilespmem:s1+$0x89A0];
	[tilespmem:s1+$0x19CB0] =	vst v7;
	v6 =	vmul.f32 $8.000000000e+00, v6  }
0xf9: {  	v34 =	vld [tilespmem:s1+$0x89B0];
	[tilespmem:s1+$0x14500] =	vst v32;
	v0 =	vmul.f32 $8.000000000e+00, v0  }
0xfa: {  	v35 =	vld [tilespmem:s1+$0x9600];
	[tilespmem:s1+$0x14510] =	vst v6;
	v1 =	vmul.f32 $8.000000000e+00, v1  }
0xfb: {  	v36 =	vld [tilespmem:s1+$0x9610];
	[tilespmem:s1+$0x14520] =	vst v0;
	v2 =	vmul.f32 $8.000000000e+00, v2  }
0xfc: {  	v37 =	vld [tilespmem:s1+$0x9620];
	[tilespmem:s1+$0x14530] =	vst v1;
	v3 =	vmul.f32 $8.000000000e+00, v3  }
0xfd: {  	v38 =	vld [tilespmem:s1+$0x9630];
	[tilespmem:s1+$0x15180] =	vst v2;
	v5 =	vmul.f32 $8.000000000e+00, v33  }
0xfe: {  	v52 =	vld [tilespmem:s1+$0xC810];
	v4 =	vmul.f32 $8.000000000e+00, v34;
	[tilespmem:s1+$0x15190] =	vst v3  }
0xff: {  	v53 =	vld [tilespmem:s1+$0xC820];
	v6 =	vmul.f32 $8.000000000e+00, v35;
	[tilespmem:s1+$0x151A0] =	vst v5  }
0x100: {  	v54 =	vld [tilespmem:s1+$0xC830];
	v0 =	vmul.f32 $8.000000000e+00, v36;
	[tilespmem:s1+$0x151B0] =	vst v4  }
0x101: {  	v55 =	vld [tilespmem:s1+$0xD480];
	v1 =	vmul.f32 $8.000000000e+00, v37;
	[tilespmem:s1+$0x15E00] =	vst v6  }
0x102: {  	v56 =	vld [tilespmem:s1+$0xD490];
	v2 =	vmul.f32 $8.000000000e+00, v38;
	[tilespmem:s1+$0x15E10] =	vst v0  }
0x103: {  	v58 =	vld [tilespmem:s1+$0xD4A0];
	v57 =	vmul.f32 $8.000000000e+00, v52;
	[tilespmem:s1+$0x15E20] =	vst v1  }
0x104: {  	v39 =	vld [tilespmem:s1+$0xA280];
	v59 =	vmul.f32 $8.000000000e+00, v53;
	[tilespmem:s1+$0x15E30] =	vst v2  }
0x105: {  	v40 =	vld [tilespmem:s1+$0xA290];
	v60 =	vmul.f32 $8.000000000e+00, v54;
	[tilespmem:s1+$0x19010] =	vst v57  }
0x106: {  	v41 =	vld [tilespmem:s1+$0xA2A0];
	v61 =	vmul.f32 $8.000000000e+00, v55;
	[tilespmem:s1+$0x19020] =	vst v59  }
0x107: {  	v42 =	vld [tilespmem:s1+$0xA2B0];
	v62 =	vmul.f32 $8.000000000e+00, v56;
	[tilespmem:s1+$0x19030] =	vst v60  }
0x108: {  	v43 =	vld [tilespmem:s1+$0xAF00];
	v63 =	vmul.f32 $8.000000000e+00, v58;
	[tilespmem:s1+$0x19C80] =	vst v61  }
0x109: {  	v44 =	vld [tilespmem:s1+$0xAF10];
	v3 =	vmul.f32 $8.000000000e+00, v39;
	[tilespmem:s1+$0x19C90] =	vst v62  }
0x10a: {  	v45 =	vld [tilespmem:s1+$0xAF20];
	v5 =	vmul.f32 $8.000000000e+00, v40;
	[tilespmem:s1+$0x19CA0] =	vst v63  }
0x10b: {  	v46 =	vld [tilespmem:s1+$0xAF30];
	v4 =	vmul.f32 $8.000000000e+00, v41;
	[tilespmem:s1+$0x16A80] =	vst v3  }
0x10c: {  	v47 =	vld [tilespmem:s1+$0xBB80];
	v6 =	vmul.f32 $8.000000000e+00, v42;
	[tilespmem:s1+$0x16A90] =	vst v5  }
0x10d: {  	v48 =	vld [tilespmem:s1+$0xBB90];
	v0 =	vmul.f32 $8.000000000e+00, v43;
	[tilespmem:s1+$0x16AA0] =	vst v4  }
0x10e: {  	v49 =	vld [tilespmem:s1+$0xBBA0];
	v1 =	vmul.f32 $8.000000000e+00, v44;
	[tilespmem:s1+$0x16AB0] =	vst v6  }
0x10f: {  	v50 =	vld [tilespmem:s1+$0xBBB0];
	v2 =	vmul.f32 $8.000000000e+00, v45;
	[tilespmem:s1+$0x17700] =	vst v0  }
0x110: {  	v51 =	vld [tilespmem:s1+$0xC800];
	v3 =	vmul.f32 $8.000000000e+00, v46;
	[tilespmem:s1+$0x17710] =	vst v1  }
0x111: {  	[tilespmem:s1+$0x17720] =	vst v2;
	v5 =	vmul.f32 $8.000000000e+00, v47  }
0x112: {  	s29 =	sadd.s32 $0x1, s29;
	v4 =	vmul.f32 $8.000000000e+00, v48;
	[tilespmem:s1+$0x17730] =	vst v3  }
0x113: {  	s0 =	sshll.u32 s30, $0x3;
	p0 =	sne.s32 s29, $0x8;
	v6 =	vmul.f32 $8.000000000e+00, v49;
	[tilespmem:s1+$0x18380] =	vst v5  }
.Ltmp2:
0x114: {  	s0 =	sadd.s32 s6, s0;
	v0 =	vmul.f32 $8.000000000e+00, v50;
	[tilespmem:s1+$0x18390] =	vst v4;
	(pc) =	sbr.rel @p0 .LBB2_2-.Ltmp2, $4  }
0x115: {  	s0 =	smul.u32 $0x190, s0;
	v1 =	vmul.f32 $8.000000000e+00, v51;
	[tilespmem:s1+$0x183A0] =	vst v6  }
0x116: {  	[tilespmem:s1+$0x183B0] =	vst v0  }
0x117: {  	s0 =	sadd.s32 s2, s0;
	[tilespmem:s1+$0x19000] =	vst v1  }
0x118: {  	[hbm4b:s0+s3] =	stream.linear.scatter [tilespmem:s24], [sflag:$0x4], $0x6400, $0x38;
	[tilespmem:$0x1A900] =	vst v63  }
0x119: {  	s28 =	sadd.s32 $0x1, s28  }
0x11a: {  	_ =	swait.ge [sflag:s25], $0x6400;
	p0 =	sne.s32 s28, s7  }
.Ltmp3:
0x11b: {  	[sflag:s25] =	ssyncset.done $0x0;
	(pc) =	sbr.rel @p0 .LBB2_1-.Ltmp3, $4  }
0x11c: {  	[sflag:s25] =	ssyncadd.s32 $0xFFFF9C00  }
0x11d: {  	_ =	swait.ge [sflag:s26], $0x6400  }
0x11e: {  	[sflag:s26] =	ssyncset.done $0x0  }
0x11f: {  	[sflag:s26] =	ssyncadd.s32 $0xFFFF9C00  }
0x120: {  	_ =	sfence.sel $0x180000  }
0x121: {  	[bflag:$0x0] =	sbarrier.arrive $0xFFFF  }
0x122: {  	_ =	strace $0x90000047  }
0x123: {  	s0 =	stileid.u32;
	[bflag:$0x2] =	sbarrier.arrive $0xFFFF  }
0x124: {  	p0 =	sne.s32 s0, $0x0;
	s0 =	rddreg [dreg:$0x2]  }
0x125: {  	s0 =	sadd.s32 @!p0 $0x100000, s0  }
0x126: {  	[sflag:s0] =	ssyncadd.tile.s32 @!p0 $0x1;
	_ =	shalt  }
.Lfunc_end2:
_tile_overlayer_lowered:
.L_overlay_start_2:
0x127: {  	(tag) =	ssettag $0x2  }
0x128: {  	s0 =	rddreg [dreg:$0x0];
	s2 =	stileid.u32  }
0x129: {  	s1 =	rddreg [dreg:$0x1];
	p0 =	sne.s32 s2, $0x0  }
0x12a: {  	s3 =	rddreg [dreg:$0x2];
	[bflag:$0x3] =	sbarrier.arrive $0xFFFF;
	s2 =	simm.s32 @!p0 $0x1C05  }
0x12b: {  	[timem:s3], [sflag:s2] =	dma.local @!p0 [hbm:s0], s1  }
0x12c: {  	s0 =	simm.s32 @!p0 $0x5  }
0x12d: {  	_ =	swait.ge @!p0 [sflag:s0], s1  }
0x12e: {  	s1 =	ssub.s32 @!p0 $0x0, s1;
	[sflag:s0] =	ssyncset.done @!p0 $0x0  }
0x12f: {  	[sflag:s0] =	ssyncadd.s32 @!p0 s1  }
0x130: {  	[bflag:$0x3] =	sbarrier.arrive $0xFFFF  }
0x131: {  	_ =	shalt  }

// kernel: sparse-core-data-format-call.cloned.1.call-start
scs
called_computation_lowered:
.L_overlay_start_0:
0x0: {  	s2 =	sld [smem:$0x3FD9]  }
0x1: {  	s3 =	sld [smem:$0x3FFE];
	_ =	sdelay $0x1  }
0x2: {  	s1 =	srdreg.scid  }
0x3: {  	s0 =	sand.u32 $0x1, s1  }
0x4: {  	s18 =	sshll.u32 s0, $0xA;
	s2 =	sadd.s32 s3, s2  }
0x5: {  	s2 =	sadd.s32 s2, s18  }
0x6: {  	[smem:$0x3FC6] =	sst s2  }
0x7: {  	_ = 	snop  }
0x8: {  	s2 =	sld [smem:$0x3FD0];
	(tm) =	ssettm $0x1  }
0x9: {  	s19 =	sld [smem:$0x3FFB];
	_ =	sdelay $0x3  }
0xa: {  	_ =	strace s19  }
0xb: {  	s3 =	sld [smem:$0x3FFC];
	_ =	sdelay $0x3  }
0xc: {  	_ =	strace s3  }
0xd: {  	s3 =	sld [smem:$0x3FFD];
	_ =	sdelay $0x3  }
0xe: {  	_ =	strace s3  }
0xf: {  	_ =	strace $0x8FFFFFFF  }
0x10: {  	s20 =	sld [smem:$0x3FDB];
	_ =	sdelay $0x1  }
0x11: {  	s4 =	simm.s32 $_scs_section_size  }
0x12: {  	s5 =	simm.s32 $_size__tile_overlayer_lowered;
	s6 =	simm.s32 $_tile_overlayer_lowered  }
0x13: {  	s23 =	simm.s32 $0x1BFF;
	s22 =	sshll.u32 s6, $0x1;
	s3 =	sadd.s32 s4, s20  }
0x14: {  	s7 =	simm.s32 $0x0;
	s21 =	sshll.u32 s5, $0x1;
	s5 =	sadd.s32 s22, s3  }
0x15: {  	[timem:s7], [sflag:s23] =	dma.local [hbm:s5], s21  }
0x16: {  	_ =	swait.ge [sflag:s23], s21  }
0x17: {  	s4 =	ssub.s32 $0x0, s21;
	[sflag:s23] =	ssyncset.done $0x0  }
0x18: {  	[sflag:s23] =	ssyncadd.s32 s4;
	_ =	sdelay $0x1  }
0x19: {  	s24 =	simm.s32 $0x1B8B  }
0x1a: {  	_ =	swait.ge [sflag:s24], $0x1  }
0x1b: {  	[sflag:s24] =	ssyncset.done $0x0  }
0x1c: {  	s26 =	simm.s32 $0x1B8E;
	s25 =	sld [smem:$0x3FFE];
	[sflag:s24] =	ssyncadd.s32 $0xFFFFFFFF  }
0x1d: {  	s27 =	simm.s32 $execute0_lowered;
	[smem:$0x3FD2] =	sst s26  }
0x1e: {  	s5 =	sshll.u32 s27, $0x1;
	_ =	strace $0x80000049;
	[dreg:$0x1] =	wrdreg $0xFFFFFFFF  }
0x1f: {  	s28 =	simm.s32 $_size_execute0_lowered;
	s3 =	sadd.s32 s3, s5;
	[dreg:$0x0] =	wrdreg $0x0  }
0x20: {  	s5 =	sshll.u32 s28, $0x1;
	[dreg:$0x2] =	wrdreg s3  }
0x21: {  	[dreg:$0x3] =	wrdreg s5  }
0x22: {  	[dreg:$0x4] =	wrdreg $0xC0  }
0x23: {  	_ =	task [dreg:s7], $0x5FFFF  }
0x24: {  	[dreg:$0x1] =	wrdreg $0xFFFFFFFF  }
0x25: {  	[dreg:$0x0] =	wrdreg $0x60  }
0x26: {  	[dreg:$0x2] =	wrdreg s25  }
0x27: {  	[dreg:$0x3] =	wrdreg s2  }
0x28: {  	[dreg:$0x4] =	wrdreg $0x9  }
0x29: {  	_ =	task.clear_ibuf [dreg:s7], $0x5FFFF;
	_ =	strace $0x90000049  }
0x2a: {  	s29 =	simm.s32 $0x9;
	_ =	strace $0x8000004B  }
0x2b: {  	_ =	swait.ge [sflag:s29], $0x1  }
0x2c: {  	[sflag:s29] =	ssyncadd.s32 $0xFFFFFFFF  }
0x2d: {  	_ =	strace $0x9000004B  }
0x2e: {  	_ =	sfence  }
0x2f: {  	s30 =	sld [smem:$0x0];
	_ =	sdelay $0x2  }
0x30: {  	s31 =	sshll.u32 s1, $0xD;
	s1 =	sshrl.u32 s1, $0x2  }
0x31: {  	s3 =	sand.u32 $0x4000, s31;
	s1 =	sadd.s32 s1, s30  }
0x32: {  	s0 =	sor.u32 s3, s0;
	s1 =	sshll.u32 s1, $0x11  }
0x33: {  	s0 =	sor.u32 s1, s0  }
0x34: {  	s0 =	sadd.s32 $0x8F2B, s0  }
0x35: {  	[sflag:s0] =	ssyncadd.remote.s32 $0x1  }
0x36: {  	_ =	sfence.sel $0xFFFF  }
0x37: {  	[dreg:$0x0] =	wrdreg $0xFFFFFFFF;
	(pc) =	sbr.abs _section_cstart, $3  }
0x38: {  	[dreg:$0x1] =	wrdreg $0xFFFFFFFF  }
0x39: {  	_ =	task.clear_ibuf [dreg:s7], $0x2FFFF;
	_ =	strace $0x9FFFFFFF  }
0x3a: {  	(tm) =	ssettm $0x7FFFFFFF  }
0x3b: {  	_ =	shalt  }
tec
execute0_lowered:
.L_overlay_start_1:
0x0: {  	(tag) =	ssettag $0x1  }
0x1: {  	s0 =	srdreg.scid  }
0x2: {  	s1 =	sshll.u32 s0, $0x4  }
0x3: {  	s0 =	stileid.u32;
	s1 =	sand.u32 $0x10, s1  }
0x4: {  	s1 =	sor.u32 s0, s1  }
0x5: {  	s6 =	rddreg [dreg:$0x0];
	s4 =	simm.s32 $0x1;
	s2 =	sshll.u32 s1, $0x7  }
0x6: {  	s7 =	simm.s32 $0x2;
	s12 =	simm.s32 $0x0;
	s1 =	ssub.s32 $0x1000, s2  }
0x7: {  	s8 =	simm.s32 $0x8000;
	s13 =	simm.s32 $0x0;
	s3 =	sand.u32 $0xF80, s1  }
0x8: {  	s9 =	simm.s32 $0x0;
	s5 =	sshrl.u32 s1, $0xC;
	p0 =	sne.s32 s3, $0x0  }
.Ltmp0:
0x9: {  	s1 =	rddreg [dreg:$0x2];
	s4 =	simm.s32 @!p0 $0x0;
	(pc) =	sbr.rel .LBB1_1-.Ltmp0, $4  }
0xa: {  	s11 =	simm.s32 $0x0;
	s3 =	rddreg [dreg:$0x1];
	s5 =	sadd.s32 s4, s5  }
0xb: {  	_ =	strace $0x8000004A;
	s4 =	simm.s32 $0x1;
	s5 =	smul.u32 $0x32, s5  }
0xc: {  	s6 =	sadd.s32 $0x800, s6;
	s10 =	smov.u32 s2;
	[sflag:s4] =	ssyncpa.u1 $0x0  }
0xd: {  	p0 =	por $0x0, $0x0;
	[sflag:s7] =	ssyncpa.u1 $0x0;
	s7 =	sor.u32 $0x1, s5  }
.LBB1_4:
0xe: {  	s16 =	sshll.u32 s13, $0x3;
	s17 =	sand.u32 $0x78, s13  }
0xf: {  	s30 =	sand.u32 $0x7E00, s13;
	s12 =	sshll.u32 s12, $0xF;
	s16 =	sand.u32 $0xC00, s16  }
0x10: {  	[tilespmem:s15+$0x810 ss:$0x81] =	vst.msk $0xffff, v2;
	s31 =	sand.u32 $0x7, s13;
	s16 =	sor.u32 s17, s16;
	s17 =	sadd.s32 s3, s30  }
0x11: {  	[tilespmem:s15+$0x1020 ss:$0x81] =	vst.msk $0xffff, v0;
	s13 =	sshll.u32 s31, $0x12;
	s12 =	sadd.s32 s12, s17;
	s16 =	sshrl.u32 s16, $0x3  }
0x12: {  	[tilespmem:s15+$0x0 ss:$0x81] =	vst.msk $0xffff, v1;
	s13 =	sor.u32 $0x400, s13;
	s12 =	sadd.s32 s16, s12  }
0x13: {  	[hbm4b:s12+s13] =	stream.strided.scatter [tilespmem:s14], [sflag:$0x2], $0x2000, s8, s13, $0x20;
	[tilespmem:$0x8080] =	vst v63  }
.LBB1_5:
0x14: {  	s14 =	sadd.s32 $0x1, s9  }
0x15: {  	s12 =	sadd.s32 $0x1000, s10;
	s16 =	smov.u32 s10;
	p2 =	sgt.s32 s14, $0x31  }
0x16: {  	s16 =	smov.u32 @p2 s12  }
0x17: {  	s14 =	simm.s32 @p2 $0x0;
	p2 =	sgt.s32 s16, $0xFFF  }
0x18: {  	s16 =	smov.u32 @p2 s2;
	p2 =	sne.s32 s11, s7  }
.Ltmp1:
0x19: {  	p1 =	slt.u32 s11, $0x2;
	(pc) =	sbr.rel @!p2 .LBB1_6-.Ltmp1, $4  }
0x1a: {  	s15 =	simm.s32 @!p1 $0x2  }
0x1b: {  	s13 =	smov.u32 s10;
	p0 =	por !p0, !p0;
	_ =	swait.ge @!p1 [sflag:s15], $0x2000  }
0x1c: {  	s12 =	smov.u32 s9;
	[sflag:s15] =	ssyncset.done @!p1 $0x0;
	s9 =	smov.u32 s14  }
0x1d: {  	s11 =	sadd.s32 $0x1, s11;
	[sflag:s15] =	ssyncadd.s32 @!p1 $0xFFFFE000;
	s10 =	smov.u32 s16  }
.LBB1_1:
0x1e: {  	p1 =	sge.u32 s11, s5  }
0x1f: {  	s14 =	sand.u32 @!p1 $0x1FFFFFF, s9  }
0x20: {  	s15 =	smulhi.u32 @!p1 $0x4924925, s14;
	_ =	sdelay $0x1  }
0x21: {  	s15 =	smul.u32 @!p1 $0x38, s15  }
0x22: {  	s16 =	sxor.u32 @!p1 $0xFFFFFFFF, s11;
	s17 =	smul.u32 @!p1 $0x380, s10  }
0x23: {  	s31 =	sadd.s32 $0xFFFFFFFF, s11;
	s16 =	sshll.u32 @!p1 s16, $0xD;
	s14 =	ssub.s32 @!p1 s14, s15  }
0x24: {  	s15 =	sand.u32 @!p1 $0x2000, s16;
	s16 =	sadd.s32 @!p1 s6, s17;
	s14 =	sshll.u32 @!p1 s14, $0x4  }
0x25: {  	s17 =	simm.s32 @!p1 $0x1C00;
	s14 =	sadd.s32 @!p1 s14, s16;
	s16 =	simm.s32 @!p1 $0x40  }
0x26: {  	[tilespmem:s15], [sflag:$0x1] =	stream.strided.gather @!p1 [hbm4b:s14+s16], $0x2000, s17, s16, $0x38;
	[tilespmem:$0x8080] =	vst v63  }
0x27: {  	p1 =	sge.u32 s31, s5  }
.Ltmp2:
0x28: {  	_ = 	snop;
	(pc) =	sbr.rel @p1 .LBB1_5-.Ltmp2, $1  }
0x29: {  	_ =	sdelay $0x3  }
0x2a: {  	s14 =	simm.s32 $0x1  }
0x2b: {  	_ =	swait.ge [sflag:s4], $0x2000;
	s14 =	simm.s32 @!p0 $0x0  }
0x2c: {  	[sflag:s4] =	ssyncset.done $0x0;
	s15 =	sshll.u32 s14, $0xD  }
0x2d: {  	[sflag:s4] =	ssyncadd.s32 $0xFFFFE000;
	s18 =	sor.u32 $0x20, s15  }
0x2e: {  	s14 =	smul.u32 $0x8100, s14;
	v3 =	vld [tilespmem:s18+$0x10]  }
0x2f: {  	s30 =	sand.u32 $0x1, s11;
	v2 =	vld [tilespmem:s18+$0xFFFFFFF0]  }
0x30: {  	s15 =	smul.u32 $0x8100, s30;
	s14 =	sshrl.u32 s14, $0x2;
	v0 =	vld [tilespmem:s18+$0x0]  }
0x31: {  	v1 =	vld [tilespmem:s18+$0xFFFFFFE0];
	s16 =	sor.u32 $0x4000, s14  }
0x32: {  	s31 =	sshrl.u32 s15, $0x2;
	s15 =	sadd.s32 $0x0, s16  }
0x33: {  	s17 =	simm.s32 $0x4;
	s18 =	sadd.s32 $0x40, s18;
	s14 =	sor.u32 $0x4000, s31;
	[tilespmem:s15+$0x1830 ss:$0x81] =	vst.msk $0xffff, v3  }
.LBB1_3:
0x34: {  	v3 =	vld [tilespmem:s18+$0x10];
	p1 =	sne.s32 s17, $0x1FC;
	[tilespmem:s15+$0x810 ss:$0x81] =	vst.msk $0xffff, v2;
	s19 =	smov.u32 s17;
	s17 =	sadd.s32 $0x4, s17  }
.Ltmp3:
0x35: {  	v2 =	vld [tilespmem:s18+$0xFFFFFFF0];
	[tilespmem:s15+$0x1020 ss:$0x81] =	vst.msk $0xffff, v0;
	(pc) =	sbr.rel @p1 .LBB1_3-.Ltmp3, $4  }
0x36: {  	v0 =	vld [tilespmem:s18+$0x0];
	[tilespmem:s15+$0x0 ss:$0x81] =	vst.msk $0xffff, v1  }
0x37: {  	s15 =	sshra.s32 s19, $0x2;
	v1 =	vld [tilespmem:s18+$0xFFFFFFE0]  }
0x38: {  	s15 =	sadd.s32 s15, s16  }
0x39: {  	s18 =	sadd.s32 $0x40, s18;
	[tilespmem:s15+$0x1830 ss:$0x81] =	vst.msk $0xffff, v3  }
.Ltmp4:
0x3a: {  	_ = 	snop;
	(pc) =	sbr.rel .LBB1_4-.Ltmp4, $1  }
0x3b: {  	_ =	sdelay $0x3  }
.LBB1_6:
0x3c: {  	_ =	sfence.sel $0x180000  }
0x3d: {  	s2 =	simm.s32 $0x1;
	[bflag:$0x0] =	sbarrier.arrive $0xFFFF  }
0x3e: {  	s31 =	simm.s32 $0x2;
	[sflag:s2] =	ssyncpa.u1 $0x1  }
0x3f: {  	[sflag:s31] =	ssyncpa.u1 $0x1  }
0x40: {  	p0 =	sne.s32 s0, $0x0;
	_ =	strace $0x9000004A  }
0x41: {  	s0 =	sadd.s32 @!p0 $0x100000, s1;
	[bflag:$0x2] =	sbarrier.arrive $0xFFFF  }
0x42: {  	[sflag:s0] =	ssyncadd.tile.s32 @!p0 $0x1;
	_ =	shalt  }
.Lfunc_end1:
_tile_overlayer_lowered:
.L_overlay_start_2:
0x43: {  	(tag) =	ssettag $0x2  }
0x44: {  	s0 =	rddreg [dreg:$0x0];
	s2 =	stileid.u32  }
0x45: {  	s1 =	rddreg [dreg:$0x1];
	p0 =	sne.s32 s2, $0x0  }
0x46: {  	s3 =	rddreg [dreg:$0x2];
	[bflag:$0x3] =	sbarrier.arrive $0xFFFF;
	s2 =	simm.s32 @!p0 $0x1C01  }
0x47: {  	[timem:s3], [sflag:s2] =	dma.local @!p0 [hbm:s0], s1  }
0x48: {  	s0 =	simm.s32 @!p0 $0x1  }
0x49: {  	_ =	swait.ge @!p0 [sflag:s0], s1  }
0x4a: {  	s1 =	ssub.s32 @!p0 $0x0, s1;
	[sflag:s0] =	ssyncset.done @!p0 $0x0  }
0x4b: {  	[sflag:s0] =	ssyncadd.s32 @!p0 s1  }
0x4c: {  	[bflag:$0x3] =	sbarrier.arrive $0xFFFF  }
0x4d: {  	_ =	shalt  }

</sc_bundles>
